<compile_context>
chip_gen: v7x
topology: tpu7x:2x2x1
jax: 0.10.2.dev20260603
libtpu: 0.0.44.dev20260713+nightly
codegen_flags: <defaults>
</compile_context>

<pallas_src>
import jax
import jax.numpy as jnp
from jax import lax
from jax.experimental import pallas as pl
from jax.experimental.pallas import tpu as pltpu
from jax.experimental.pallas import tpu_sc as plsc

N = 10000
D = 128
E = 320000
NC = 2
NS = 16
NW = NC * NS
K = 80
NCHUNK = 126
EPW = K * NCHUNK
NP = 10240
RPS = NP // NS
NBUF = 2


def _sc_aggregate_kernel(x_hbm, src_hbm, dst_hbm, featp_hbm, degp_hbm,
                         idxd_v, idxs_v, rows_v, ones_v,
                         accf_s, accd_s, gsem):
  c = lax.axis_index("c")
  s = lax.axis_index("s")
  w = c * NS + s

  def _init_ones(i, carry):
    ones_v[pl.ds(i * 16, 16)] = jnp.ones((16,), jnp.float32)
    return carry
  lax.fori_loop(0, K // 16, _init_ones, 0)

  def _zero_row(i, carry):
    for j in range(8):
      rows_v[0, i, pl.ds(j * 16, 16)] = jnp.zeros((16,), jnp.float32)
    return carry
  lax.fori_loop(0, K, _zero_row, 0)

  rowbase = s * RPS
  for t in range(RPS // K):
    pltpu.sync_copy(rows_v.at[0], accf_s.at[pl.ds(rowbase + t * K, K)])
  for t in range(RPS // 128):
    pltpu.sync_copy(rows_v.at[0, t], accd_s.at[pl.ds(rowbase + t * 128, 128)])

  pltpu.sync_copy(dst_hbm.at[w], idxd_v)
  pltpu.sync_copy(src_hbm.at[pl.ds(w * EPW, EPW)], idxs_v)
  plsc.subcore_barrier()

  def _gather(i, b):
    pltpu.async_copy(x_hbm.at[idxs_v.at[pl.ds(i * K, K)]], rows_v.at[b],
                     gsem.at[b])

  _gather(0, 0)

  def _step(g, carry):
    for b in range(NBUF):
      i = g * NBUF + b
      pltpu.make_async_copy(x_hbm.at[idxs_v.at[pl.ds(0, K)]], rows_v.at[b],
                            gsem.at[b]).wait()

      @pl.when(i + 1 < NCHUNK)
      def _():
        _gather(i + 1, 1 - b)

      pltpu.sync_copy(rows_v.at[b], accf_s.at[idxd_v.at[i]], add=True)
      pltpu.sync_copy(ones_v, accd_s.at[idxd_v.at[i]], add=True)
    return carry
  lax.fori_loop(0, NCHUNK // NBUF, _step, 0)

  plsc.subcore_barrier()

  pltpu.sync_copy(accf_s.at[pl.ds(rowbase, RPS)],
                  featp_hbm.at[c, pl.ds(rowbase, RPS)])
  pltpu.sync_copy(accd_s.at[pl.ds(rowbase, RPS)],
                  degp_hbm.at[pl.ds(c * NP + rowbase, RPS)])


@jax.jit
def _sc_aggregate(x, src, dst):
  mesh = plsc.VectorSubcoreMesh(core_axis_name="c", subcore_axis_name="s")
  return pl.kernel(
      _sc_aggregate_kernel,
      out_type=[
          jax.ShapeDtypeStruct((NC, NP, D), jnp.float32),
          jax.ShapeDtypeStruct((NC * NP,), jnp.float32),
      ],
      mesh=mesh,
      scratch_types=[
          pltpu.VMEM((NCHUNK, K), jnp.int32),
          pltpu.VMEM((EPW,), jnp.int32),
          pltpu.VMEM((NBUF, K, D), jnp.float32),
          pltpu.VMEM((K,), jnp.float32),
          pltpu.VMEM_SHARED((NP, D), jnp.float32),
          pltpu.VMEM_SHARED((NP,), jnp.float32),
          pltpu.SemaphoreType.DMA((NBUF,)),
      ],
  )(x, src, dst)


BN = 1024


def _tc_finish_kernel(x_ref, fp_ref, dp_ref, w_ref, b_ref, o_ref):
  ssum = fp_ref[0] + fp_ref[1]
  deg = (dp_ref[0] + dp_ref[1]).reshape(BN, 1)
  h = ssum * (1.0 / deg)
  t = (jnp.dot(x_ref[...], w_ref[pl.ds(0, D)],
               preferred_element_type=jnp.float32)
       + jnp.dot(h, w_ref[pl.ds(D, D)],
                 preferred_element_type=jnp.float32)
       + b_ref[...])
  o_ref[...] = jax.nn.sigmoid(t)


@jax.jit
def _tc_finish(x, featp, degp, weight, bias):
  grid = ((N + BN - 1) // BN,)
  return pl.pallas_call(
      _tc_finish_kernel,
      grid=grid,
      in_specs=[
          pl.BlockSpec((BN, D), lambda i: (i, 0)),
          pl.BlockSpec((NC, BN, D), lambda i: (0, i, 0)),
          pl.BlockSpec((NC, BN), lambda i: (0, i)),
          pl.BlockSpec((2 * D, D), lambda i: (0, 0)),
          pl.BlockSpec((1, D), lambda i: (0, 0)),
      ],
      out_specs=pl.BlockSpec((BN, D), lambda i: (i, 0)),
      out_shape=jax.ShapeDtypeStruct((N, D), jnp.float32),
  )(x, featp, degp.reshape(NC, NP), weight, bias.reshape(1, D))


@jax.jit
def kernel(node_feat_input, adjacency_input, indices, weight, bias):
  del indices
  dst = adjacency_input[:, 0]
  src = adjacency_input[:, 1]
  pad = EPW - E // NW
  src3 = jnp.concatenate(
      [src.reshape(NW, E // NW),
       jnp.zeros((NW, pad), jnp.int32)], axis=1).reshape(NW * EPW)
  dst3 = jnp.concatenate(
      [dst.reshape(NW, E // NW),
       jnp.full((NW, pad), N, jnp.int32)], axis=1).reshape(NW, NCHUNK, K)
  featp, degp = _sc_aggregate(node_feat_input, src3, dst3)
  return _tc_finish(node_feat_input, featp, degp, weight, bias)

# --- scband reference (transcript-rebuilt; emitter-appended) ---
"""Pipeline reference for scband-sparse-gcn-62122406969952 (READ-ONLY COPY).

The authoritative reference and input builder live on the scoring server;
editing this copy changes nothing except your own understanding.
"""

import jax, jax.numpy as jnp
import numpy as np
import math

N_NODES = 10000
N_EDGES = 320000
D_FEAT = 128
D_OUT = 128

def setup_inputs(seed: int = 0) -> dict:
    key = jax.random.key(seed)
    k1, k2, k3, k4 = jax.random.split(key, 4)
    node_feat_input = jax.random.normal(k1, (N_NODES, D_FEAT), dtype=jnp.float32)
    adjacency_input = jax.random.randint(k2, (N_EDGES, 2), 0, N_NODES, dtype=jnp.int32)
    indices = jnp.arange(N_NODES, dtype=jnp.int32)
    # weight is [2*num_inputs, num_outputs] because the module doubles num_inputs
    fan_in = 2 * D_FEAT
    bound = math.sqrt(6.0 / float(fan_in + D_OUT))
    weight = jax.random.uniform(k3, (fan_in, D_OUT), minval=-bound, maxval=bound, dtype=jnp.float32)
    bias = jax.random.uniform(k4, (D_OUT,), minval=-bound, maxval=bound, dtype=jnp.float32)
    return {"node_feat_input": node_feat_input, "adjacency_input": adjacency_input, "indices": indices, "weight": weight, "bias": bias}

def reference(node_feat_input, adjacency_input, indices, weight, bias):
    n = node_feat_input.shape[0]
    dst = adjacency_input[:, 0]
    src = adjacency_input[:, 1]
    # sum_neighbors.index_add_(0, dst, node_feat_input[src])
    gathered = jnp.take(node_feat_input, src, axis=0)
    sum_neighbors = jax.ops.segment_sum(gathered, dst, num_segments=n)
    # degree.index_add_(0, dst, ones)
    ones = jnp.ones_like(dst, dtype=node_feat_input.dtype)
    degree = jax.ops.segment_sum(ones, dst, num_segments=n)
    # diag(1/degree) @ sum_neighbors == row-wise scaling by 1/degree (same math)
    H_neigh = sum_neighbors * (1.0 / degree)[:, None]
    temp = jnp.hstack([node_feat_input, H_neigh]) @ weight
    temp = jax.nn.sigmoid(temp + bias)
    return temp

if __name__ == "__main__":
    import jax
    _d = setup_inputs()
    print(jax.jit(kernel)(*tuple(_d.values())))

</pallas_src>

<mosaic_0001>
#map = affine_map<(d0, d1) -> (0, 0)>
#map1 = affine_map<(d0, d1) -> (0)>
#map2 = affine_map<(d0, d1) -> (0, 0, 0)>
module attributes {stable_mosaic.version = 14 : i64} {
  func.func @_sc_aggregate_kernel(%arg0: i32, %arg1: i32, %arg2: memref<10000x128xf32, #tpu.memory_space<hbm>>, %arg3: memref<322560xi32, #tpu.memory_space<hbm>>, %arg4: memref<32x126x80xi32, #tpu.memory_space<hbm>>, %arg5: memref<2x10240x128xf32, #tpu.memory_space<hbm>>, %arg6: memref<20480xf32, #tpu.memory_space<hbm>>, %arg7: memref<126x80xi32, #tpu.memory_space<vmem>>, %arg8: memref<10080xi32, #tpu.memory_space<vmem>>, %arg9: memref<2x80x128xf32, #tpu.memory_space<vmem>>, %arg10: memref<80xf32, #tpu.memory_space<vmem>>, %arg11: memref<10240x128xf32, #tpu.memory_space<vmem_shared>>, %arg12: memref<10240xf32, #tpu.memory_space<vmem_shared>>, %arg13: memref<2x!tpu.dma_semaphore, #tpu.memory_space<semaphore_mem>>) attributes {dimension_semantics = [#tpu.dimension_semantics<core_parallel>, #tpu.dimension_semantics<subcore_parallel>], iteration_bounds = array<i64: 2, 16>, scalar_prefetch = 0 : i64, scratch_operands = 7 : i64, tpu.core_type = #tpu.core_type<sc_vector_subcore>, window_params = [{transform_indices = #map}, {transform_indices = #map1}, {transform_indices = #map2}, {transform_indices = #map2}, {transform_indices = #map1}]} {
    %mul3A = arith.constant 16 : i32
    %mul3A_0 = arith.muli %arg0, %mul3A : i32
    %add3A = arith.addi %mul3A_0, %arg1 : i32
    %scan3A = arith.constant 0 : i32
    %scan3A_1 = arith.constant 0 : i32
    %scan3A_2 = arith.constant 5 : i32
    %scan3A_3 = arith.addi %scan3A_1, %scan3A_2 : i32
    %scan3A_4 = arith.constant 1 : i32
    scf.for %scan3A_81 = %scan3A_1 to %scan3A_3 step %scan3A_4  : i32 {
      %broadcast_in_dim3A = arith.constant 1.000000e+00 : f32
      %broadcast_in_dim3A_82 = vector.broadcast %broadcast_in_dim3A : f32 to vector<16xf32>
      %mul3A_83 = arith.constant 16 : i32
      %mul3A_84 = arith.muli %scan3A_81, %mul3A_83 : i32
      %swap3A = arith.index_cast %mul3A_84 : i32 to index
      %swap3A_85 = tpu.vector_load %arg10[%swap3A] {strides = array<i32>} : memref<80xf32, #tpu.memory_space<vmem>>, vector<16xf32>,
      %swap3A_86 = vector.shape_cast %swap3A_85 : vector<16xf32> to vector<16xf32>
      %swap3A_87 = vector.shape_cast %broadcast_in_dim3A_82 : vector<16xf32> to vector<16xf32>
      tpu.vector_store %arg10[%swap3A], %swap3A_87 {strides = array<i32>} : memref<80xf32, #tpu.memory_space<vmem>>, vector<16xf32>,
    }
    %scan3A_5 = arith.constant 5 : i32
    %scan3A_6 = arith.constant 0 : i32
    %scan3A_7 = arith.constant 0 : i32
    %scan3A_8 = arith.constant 80 : i32
    %scan3A_9 = arith.addi %scan3A_7, %scan3A_8 : i32
    %scan3A_10 = arith.constant 1 : i32
    scf.for %scan3A_81 = %scan3A_7 to %scan3A_9 step %scan3A_10  : i32 {
      %broadcast_in_dim3A = arith.constant 0.000000e+00 : f32
      %broadcast_in_dim3A_82 = vector.broadcast %broadcast_in_dim3A : f32 to vector<16xf32>
      %swap3A = arith.constant 0 : i32
      %swap3A_83 = arith.index_cast %swap3A : i32 to index
      %swap3A_84 = arith.index_cast %scan3A_81 : i32 to index
      %swap3A_85 = arith.constant 0 : index
      %swap3A_86 = tpu.vector_load %arg9[%swap3A_83, %swap3A_84, %swap3A_85] {strides = array<i32>} : memref<2x80x128xf32, #tpu.memory_space<vmem>>, vector<1x1x16xf32>,
      %swap3A_87 = vector.shape_cast %swap3A_86 : vector<1x1x16xf32> to vector<16xf32>
      %swap3A_88 = vector.shape_cast %broadcast_in_dim3A_82 : vector<16xf32> to vector<1x1x16xf32>
      tpu.vector_store %arg9[%swap3A_83, %swap3A_84, %swap3A_85], %swap3A_88 {strides = array<i32>} : memref<2x80x128xf32, #tpu.memory_space<vmem>>, vector<1x1x16xf32>,
      %broadcast_in_dim3A_89 = arith.constant 0.000000e+00 : f32
      %broadcast_in_dim3A_90 = vector.broadcast %broadcast_in_dim3A_89 : f32 to vector<16xf32>
      %swap3A_91 = arith.constant 0 : i32
      %swap3A_92 = arith.index_cast %swap3A_91 : i32 to index
      %swap3A_93 = arith.index_cast %scan3A_81 : i32 to index
      %swap3A_94 = arith.constant 16 : index
      %swap3A_95 = tpu.vector_load %arg9[%swap3A_92, %swap3A_93, %swap3A_94] {strides = array<i32>} : memref<2x80x128xf32, #tpu.memory_space<vmem>>, vector<1x1x16xf32>,
      %swap3A_96 = vector.shape_cast %swap3A_95 : vector<1x1x16xf32> to vector<16xf32>
      %swap3A_97 = vector.shape_cast %broadcast_in_dim3A_90 : vector<16xf32> to vector<1x1x16xf32>
      tpu.vector_store %arg9[%swap3A_92, %swap3A_93, %swap3A_94], %swap3A_97 {strides = array<i32>} : memref<2x80x128xf32, #tpu.memory_space<vmem>>, vector<1x1x16xf32>,
      %broadcast_in_dim3A_98 = arith.constant 0.000000e+00 : f32
      %broadcast_in_dim3A_99 = vector.broadcast %broadcast_in_dim3A_98 : f32 to vector<16xf32>
      %swap3A_100 = arith.constant 0 : i32
      %swap3A_101 = arith.index_cast %swap3A_100 : i32 to index
      %swap3A_102 = arith.index_cast %scan3A_81 : i32 to index
      %swap3A_103 = arith.constant 32 : index
      %swap3A_104 = tpu.vector_load %arg9[%swap3A_101, %swap3A_102, %swap3A_103] {strides = array<i32>} : memref<2x80x128xf32, #tpu.memory_space<vmem>>, vector<1x1x16xf32>,
      %swap3A_105 = vector.shape_cast %swap3A_104 : vector<1x1x16xf32> to vector<16xf32>
      %swap3A_106 = vector.shape_cast %broadcast_in_dim3A_99 : vector<16xf32> to vector<1x1x16xf32>
      tpu.vector_store %arg9[%swap3A_101, %swap3A_102, %swap3A_103], %swap3A_106 {strides = array<i32>} : memref<2x80x128xf32, #tpu.memory_space<vmem>>, vector<1x1x16xf32>,
      %broadcast_in_dim3A_107 = arith.constant 0.000000e+00 : f32
      %broadcast_in_dim3A_108 = vector.broadcast %broadcast_in_dim3A_107 : f32 to vector<16xf32>
      %swap3A_109 = arith.constant 0 : i32
      %swap3A_110 = arith.index_cast %swap3A_109 : i32 to index
      %swap3A_111 = arith.index_cast %scan3A_81 : i32 to index
      %swap3A_112 = arith.constant 48 : index
      %swap3A_113 = tpu.vector_load %arg9[%swap3A_110, %swap3A_111, %swap3A_112] {strides = array<i32>} : memref<2x80x128xf32, #tpu.memory_space<vmem>>, vector<1x1x16xf32>,
      %swap3A_114 = vector.shape_cast %swap3A_113 : vector<1x1x16xf32> to vector<16xf32>
      %swap3A_115 = vector.shape_cast %broadcast_in_dim3A_108 : vector<16xf32> to vector<1x1x16xf32>
      tpu.vector_store %arg9[%swap3A_110, %swap3A_111, %swap3A_112], %swap3A_115 {strides = array<i32>} : memref<2x80x128xf32, #tpu.memory_space<vmem>>, vector<1x1x16xf32>,
      %broadcast_in_dim3A_116 = arith.constant 0.000000e+00 : f32
      %broadcast_in_dim3A_117 = vector.broadcast %broadcast_in_dim3A_116 : f32 to vector<16xf32>
      %swap3A_118 = arith.constant 0 : i32
      %swap3A_119 = arith.index_cast %swap3A_118 : i32 to index
      %swap3A_120 = arith.index_cast %scan3A_81 : i32 to index
      %swap3A_121 = arith.constant 64 : index
      %swap3A_122 = tpu.vector_load %arg9[%swap3A_119, %swap3A_120, %swap3A_121] {strides = array<i32>} : memref<2x80x128xf32, #tpu.memory_space<vmem>>, vector<1x1x16xf32>,
      %swap3A_123 = vector.shape_cast %swap3A_122 : vector<1x1x16xf32> to vector<16xf32>
      %swap3A_124 = vector.shape_cast %broadcast_in_dim3A_117 : vector<16xf32> to vector<1x1x16xf32>
      tpu.vector_store %arg9[%swap3A_119, %swap3A_120, %swap3A_121], %swap3A_124 {strides = array<i32>} : memref<2x80x128xf32, #tpu.memory_space<vmem>>, vector<1x1x16xf32>,
      %broadcast_in_dim3A_125 = arith.constant 0.000000e+00 : f32
      %broadcast_in_dim3A_126 = vector.broadcast %broadcast_in_dim3A_125 : f32 to vector<16xf32>
      %swap3A_127 = arith.constant 0 : i32
      %swap3A_128 = arith.index_cast %swap3A_127 : i32 to index
      %swap3A_129 = arith.index_cast %scan3A_81 : i32 to index
      %swap3A_130 = arith.constant 80 : index
      %swap3A_131 = tpu.vector_load %arg9[%swap3A_128, %swap3A_129, %swap3A_130] {strides = array<i32>} : memref<2x80x128xf32, #tpu.memory_space<vmem>>, vector<1x1x16xf32>,
      %swap3A_132 = vector.shape_cast %swap3A_131 : vector<1x1x16xf32> to vector<16xf32>
      %swap3A_133 = vector.shape_cast %broadcast_in_dim3A_126 : vector<16xf32> to vector<1x1x16xf32>
      tpu.vector_store %arg9[%swap3A_128, %swap3A_129, %swap3A_130], %swap3A_133 {strides = array<i32>} : memref<2x80x128xf32, #tpu.memory_space<vmem>>, vector<1x1x16xf32>,
      %broadcast_in_dim3A_134 = arith.constant 0.000000e+00 : f32
      %broadcast_in_dim3A_135 = vector.broadcast %broadcast_in_dim3A_134 : f32 to vector<16xf32>
      %swap3A_136 = arith.constant 0 : i32
      %swap3A_137 = arith.index_cast %swap3A_136 : i32 to index
      %swap3A_138 = arith.index_cast %scan3A_81 : i32 to index
      %swap3A_139 = arith.constant 96 : index
      %swap3A_140 = tpu.vector_load %arg9[%swap3A_137, %swap3A_138, %swap3A_139] {strides = array<i32>} : memref<2x80x128xf32, #tpu.memory_space<vmem>>, vector<1x1x16xf32>,
      %swap3A_141 = vector.shape_cast %swap3A_140 : vector<1x1x16xf32> to vector<16xf32>
      %swap3A_142 = vector.shape_cast %broadcast_in_dim3A_135 : vector<16xf32> to vector<1x1x16xf32>
      tpu.vector_store %arg9[%swap3A_137, %swap3A_138, %swap3A_139], %swap3A_142 {strides = array<i32>} : memref<2x80x128xf32, #tpu.memory_space<vmem>>, vector<1x1x16xf32>,
      %broadcast_in_dim3A_143 = arith.constant 0.000000e+00 : f32
      %broadcast_in_dim3A_144 = vector.broadcast %broadcast_in_dim3A_143 : f32 to vector<16xf32>
      %swap3A_145 = arith.constant 0 : i32
      %swap3A_146 = arith.index_cast %swap3A_145 : i32 to index
      %swap3A_147 = arith.index_cast %scan3A_81 : i32 to index
      %swap3A_148 = arith.constant 112 : index
      %swap3A_149 = tpu.vector_load %arg9[%swap3A_146, %swap3A_147, %swap3A_148] {strides = array<i32>} : memref<2x80x128xf32, #tpu.memory_space<vmem>>, vector<1x1x16xf32>,
      %swap3A_150 = vector.shape_cast %swap3A_149 : vector<1x1x16xf32> to vector<16xf32>
      %swap3A_151 = vector.shape_cast %broadcast_in_dim3A_144 : vector<16xf32> to vector<1x1x16xf32>
      tpu.vector_store %arg9[%swap3A_146, %swap3A_147, %swap3A_148], %swap3A_151 {strides = array<i32>} : memref<2x80x128xf32, #tpu.memory_space<vmem>>, vector<1x1x16xf32>,
    }
    %scan3A_11 = arith.constant 80 : i32
    %mul3A_12 = arith.constant 640 : i32
    %mul3A_13 = arith.muli %arg1, %mul3A_12 : i32
    %add3A_14 = arith.constant 0 : i32
    %add3A_15 = arith.addi %mul3A_13, %add3A_14 : i32
    %run_scoped3A = arith.constant 0 : i32
    "tpu.region"() ({
      %run_scoped3A_81 = tpu.sem_alloc : memref<!tpu.dma_semaphore, #tpu.memory_space<semaphore_mem>>
      %dma_start3A_82 = arith.constant 0 : i32
      %dma_start3A_83 = arith.constant 0 : i32
      %dma_start3A_84 = tpu.memref_slice %arg9[%run_scoped3A, %dma_start3A_82, %dma_start3A_83] : memref<2x80x128xf32, #tpu.memory_space<vmem>> -> memref<1x80x128xf32, #tpu.memory_space<vmem>>
      %dma_start3A_85 = tpu.memref_squeeze %dma_start3A_84 : memref<1x80x128xf32, #tpu.memory_space<vmem>> -> memref<80x128xf32, #tpu.memory_space<vmem>>
      %dma_start3A_86 = arith.constant 0 : i32
      %dma_start3A_87 = tpu.memref_slice %arg11[%add3A_15, %dma_start3A_86] : memref<10240x128xf32, #tpu.memory_space<vmem_shared>> -> memref<80x128xf32, #tpu.memory_space<vmem_shared>>
      %dma_start3A_88 = arith.constant 0 : i32
      %dma_start3A_89 = tpu.memref_slice %arg11[%add3A_15, %dma_start3A_88] : memref<10240x128xf32, #tpu.memory_space<vmem_shared>> -> memref<80x128xf32, #tpu.memory_space<vmem_shared>>
      %dma_start3A_90 = arith.constant 0 : i32
      %dma_start3A_91 = arith.constant 0 : i32
      %dma_start3A_92 = tpu.memref_slice %arg9[%run_scoped3A, %dma_start3A_90, %dma_start3A_91] : memref<2x80x128xf32, #tpu.memory_space<vmem>> -> memref<1x80x128xf32, #tpu.memory_space<vmem>>
      %dma_start3A_93 = tpu.memref_squeeze %dma_start3A_92 : memref<1x80x128xf32, #tpu.memory_space<vmem>> -> memref<80x128xf32, #tpu.memory_space<vmem>>
      tpu.enqueue_dma source(%dma_start3A_93 : memref<80x128xf32, #tpu.memory_space<vmem>>) target(%dma_start3A_89 : memref<80x128xf32, #tpu.memory_space<vmem_shared>>) target_semaphore(%run_scoped3A_81 : memref<!tpu.dma_semaphore, #tpu.memory_space<semaphore_mem>>)
      %dma_wait3A = arith.constant 0 : i32
      %dma_wait3A_94 = arith.constant 0 : i32
      %dma_wait3A_95 = tpu.memref_slice %arg9[%run_scoped3A, %dma_wait3A, %dma_wait3A_94] : memref<2x80x128xf32, #tpu.memory_space<vmem>> -> memref<1x80x128xf32, #tpu.memory_space<vmem>>
      %dma_wait3A_96 = tpu.memref_squeeze %dma_wait3A_95 : memref<1x80x128xf32, #tpu.memory_space<vmem>> -> memref<80x128xf32, #tpu.memory_space<vmem>>
      %dma_wait3A_97 = arith.constant 0 : i32
      %dma_wait3A_98 = tpu.memref_slice %arg11[%add3A_15, %dma_wait3A_97] : memref<10240x128xf32, #tpu.memory_space<vmem_shared>> -> memref<80x128xf32, #tpu.memory_space<vmem_shared>>
      %dma_wait3A_99 = arith.constant 0 : i32
      %dma_wait3A_100 = tpu.memref_slice %arg11[%add3A_15, %dma_wait3A_99] : memref<10240x128xf32, #tpu.memory_space<vmem_shared>> -> memref<80x128xf32, #tpu.memory_space<vmem_shared>>
      %dma_wait3A_101 = arith.constant 0 : i32
      %dma_wait3A_102 = arith.constant 0 : i32
      %dma_wait3A_103 = tpu.memref_slice %arg9[%run_scoped3A, %dma_wait3A_101, %dma_wait3A_102] : memref<2x80x128xf32, #tpu.memory_space<vmem>> -> memref<1x80x128xf32, #tpu.memory_space<vmem>>
      %dma_wait3A_104 = tpu.memref_squeeze %dma_wait3A_103 : memref<1x80x128xf32, #tpu.memory_space<vmem>> -> memref<80x128xf32, #tpu.memory_space<vmem>>
      tpu.wait_dma2 semaphore(%run_scoped3A_81 : memref<!tpu.dma_semaphore, #tpu.memory_space<semaphore_mem>>) src(%dma_wait3A_104 : memref<80x128xf32, #tpu.memory_space<vmem>>) dst(%dma_wait3A_100 : memref<80x128xf32, #tpu.memory_space<vmem_shared>>)
      tpu.yield
    }) : () -> ()
    %add3A_16 = arith.constant 80 : i32
    %add3A_17 = arith.addi %mul3A_13, %add3A_16 : i32
    %run_scoped3A_18 = arith.constant 0 : i32
    "tpu.region"() ({
      %run_scoped3A_81 = tpu.sem_alloc : memref<!tpu.dma_semaphore, #tpu.memory_space<semaphore_mem>>
      %dma_start3A_82 = arith.constant 0 : i32
      %dma_start3A_83 = arith.constant 0 : i32
      %dma_start3A_84 = tpu.memref_slice %arg9[%run_scoped3A_18, %dma_start3A_82, %dma_start3A_83] : memref<2x80x128xf32, #tpu.memory_space<vmem>> -> memref<1x80x128xf32, #tpu.memory_space<vmem>>
      %dma_start3A_85 = tpu.memref_squeeze %dma_start3A_84 : memref<1x80x128xf32, #tpu.memory_space<vmem>> -> memref<80x128xf32, #tpu.memory_space<vmem>>
      %dma_start3A_86 = arith.constant 0 : i32
      %dma_start3A_87 = tpu.memref_slice %arg11[%add3A_17, %dma_start3A_86] : memref<10240x128xf32, #tpu.memory_space<vmem_shared>> -> memref<80x128xf32, #tpu.memory_space<vmem_shared>>
      %dma_start3A_88 = arith.constant 0 : i32
      %dma_start3A_89 = tpu.memref_slice %arg11[%add3A_17, %dma_start3A_88] : memref<10240x128xf32, #tpu.memory_space<vmem_shared>> -> memref<80x128xf32, #tpu.memory_space<vmem_shared>>
      %dma_start3A_90 = arith.constant 0 : i32
      %dma_start3A_91 = arith.constant 0 : i32
      %dma_start3A_92 = tpu.memref_slice %arg9[%run_scoped3A_18, %dma_start3A_90, %dma_start3A_91] : memref<2x80x128xf32, #tpu.memory_space<vmem>> -> memref<1x80x128xf32, #tpu.memory_space<vmem>>
      %dma_start3A_93 = tpu.memref_squeeze %dma_start3A_92 : memref<1x80x128xf32, #tpu.memory_space<vmem>> -> memref<80x128xf32, #tpu.memory_space<vmem>>
      tpu.enqueue_dma source(%dma_start3A_93 : memref<80x128xf32, #tpu.memory_space<vmem>>) target(%dma_start3A_89 : memref<80x128xf32, #tpu.memory_space<vmem_shared>>) target_semaphore(%run_scoped3A_81 : memref<!tpu.dma_semaphore, #tpu.memory_space<semaphore_mem>>)
      %dma_wait3A = arith.constant 0 : i32
      %dma_wait3A_94 = arith.constant 0 : i32
      %dma_wait3A_95 = tpu.memref_slice %arg9[%run_scoped3A_18, %dma_wait3A, %dma_wait3A_94] : memref<2x80x128xf32, #tpu.memory_space<vmem>> -> memref<1x80x128xf32, #tpu.memory_space<vmem>>
      %dma_wait3A_96 = tpu.memref_squeeze %dma_wait3A_95 : memref<1x80x128xf32, #tpu.memory_space<vmem>> -> memref<80x128xf32, #tpu.memory_space<vmem>>
      %dma_wait3A_97 = arith.constant 0 : i32
      %dma_wait3A_98 = tpu.memref_slice %arg11[%add3A_17, %dma_wait3A_97] : memref<10240x128xf32, #tpu.memory_space<vmem_shared>> -> memref<80x128xf32, #tpu.memory_space<vmem_shared>>
      %dma_wait3A_99 = arith.constant 0 : i32
      %dma_wait3A_100 = tpu.memref_slice %arg11[%add3A_17, %dma_wait3A_99] : memref<10240x128xf32, #tpu.memory_space<vmem_shared>> -> memref<80x128xf32, #tpu.memory_space<vmem_shared>>
      %dma_wait3A_101 = arith.constant 0 : i32
      %dma_wait3A_102 = arith.constant 0 : i32
      %dma_wait3A_103 = tpu.memref_slice %arg9[%run_scoped3A_18, %dma_wait3A_101, %dma_wait3A_102] : memref<2x80x128xf32, #tpu.memory_space<vmem>> -> memref<1x80x128xf32, #tpu.memory_space<vmem>>
      %dma_wait3A_104 = tpu.memref_squeeze %dma_wait3A_103 : memref<1x80x128xf32, #tpu.memory_space<vmem>> -> memref<80x128xf32, #tpu.memory_space<vmem>>
      tpu.wait_dma2 semaphore(%run_scoped3A_81 : memref<!tpu.dma_semaphore, #tpu.memory_space<semaphore_mem>>) src(%dma_wait3A_104 : memref<80x128xf32, #tpu.memory_space<vmem>>) dst(%dma_wait3A_100 : memref<80x128xf32, #tpu.memory_space<vmem_shared>>)
      tpu.yield
    }) : () -> ()
    %add3A_19 = arith.constant 160 : i32
    %add3A_20 = arith.addi %mul3A_13, %add3A_19 : i32
    %run_scoped3A_21 = arith.constant 0 : i32
    "tpu.region"() ({
      %run_scoped3A_81 = tpu.sem_alloc : memref<!tpu.dma_semaphore, #tpu.memory_space<semaphore_mem>>
      %dma_start3A_82 = arith.constant 0 : i32
      %dma_start3A_83 = arith.constant 0 : i32
      %dma_start3A_84 = tpu.memref_slice %arg9[%run_scoped3A_21, %dma_start3A_82, %dma_start3A_83] : memref<2x80x128xf32, #tpu.memory_space<vmem>> -> memref<1x80x128xf32, #tpu.memory_space<vmem>>
      %dma_start3A_85 = tpu.memref_squeeze %dma_start3A_84 : memref<1x80x128xf32, #tpu.memory_space<vmem>> -> memref<80x128xf32, #tpu.memory_space<vmem>>
      %dma_start3A_86 = arith.constant 0 : i32
      %dma_start3A_87 = tpu.memref_slice %arg11[%add3A_20, %dma_start3A_86] : memref<10240x128xf32, #tpu.memory_space<vmem_shared>> -> memref<80x128xf32, #tpu.memory_space<vmem_shared>>
      %dma_start3A_88 = arith.constant 0 : i32
      %dma_start3A_89 = tpu.memref_slice %arg11[%add3A_20, %dma_start3A_88] : memref<10240x128xf32, #tpu.memory_space<vmem_shared>> -> memref<80x128xf32, #tpu.memory_space<vmem_shared>>
      %dma_start3A_90 = arith.constant 0 : i32
      %dma_start3A_91 = arith.constant 0 : i32
      %dma_start3A_92 = tpu.memref_slice %arg9[%run_scoped3A_21, %dma_start3A_90, %dma_start3A_91] : memref<2x80x128xf32, #tpu.memory_space<vmem>> -> memref<1x80x128xf32, #tpu.memory_space<vmem>>
      %dma_start3A_93 = tpu.memref_squeeze %dma_start3A_92 : memref<1x80x128xf32, #tpu.memory_space<vmem>> -> memref<80x128xf32, #tpu.memory_space<vmem>>
      tpu.enqueue_dma source(%dma_start3A_93 : memref<80x128xf32, #tpu.memory_space<vmem>>) target(%dma_start3A_89 : memref<80x128xf32, #tpu.memory_space<vmem_shared>>) target_semaphore(%run_scoped3A_81 : memref<!tpu.dma_semaphore, #tpu.memory_space<semaphore_mem>>)
      %dma_wait3A = arith.constant 0 : i32
      %dma_wait3A_94 = arith.constant 0 : i32
      %dma_wait3A_95 = tpu.memref_slice %arg9[%run_scoped3A_21, %dma_wait3A, %dma_wait3A_94] : memref<2x80x128xf32, #tpu.memory_space<vmem>> -> memref<1x80x128xf32, #tpu.memory_space<vmem>>
      %dma_wait3A_96 = tpu.memref_squeeze %dma_wait3A_95 : memref<1x80x128xf32, #tpu.memory_space<vmem>> -> memref<80x128xf32, #tpu.memory_space<vmem>>
      %dma_wait3A_97 = arith.constant 0 : i32
      %dma_wait3A_98 = tpu.memref_slice %arg11[%add3A_20, %dma_wait3A_97] : memref<10240x128xf32, #tpu.memory_space<vmem_shared>> -> memref<80x128xf32, #tpu.memory_space<vmem_shared>>
      %dma_wait3A_99 = arith.constant 0 : i32
      %dma_wait3A_100 = tpu.memref_slice %arg11[%add3A_20, %dma_wait3A_99] : memref<10240x128xf32, #tpu.memory_space<vmem_shared>> -> memref<80x128xf32, #tpu.memory_space<vmem_shared>>
      %dma_wait3A_101 = arith.constant 0 : i32
      %dma_wait3A_102 = arith.constant 0 : i32
      %dma_wait3A_103 = tpu.memref_slice %arg9[%run_scoped3A_21, %dma_wait3A_101, %dma_wait3A_102] : memref<2x80x128xf32, #tpu.memory_space<vmem>> -> memref<1x80x128xf32, #tpu.memory_space<vmem>>
      %dma_wait3A_104 = tpu.memref_squeeze %dma_wait3A_103 : memref<1x80x128xf32, #tpu.memory_space<vmem>> -> memref<80x128xf32, #tpu.memory_space<vmem>>
      tpu.wait_dma2 semaphore(%run_scoped3A_81 : memref<!tpu.dma_semaphore, #tpu.memory_space<semaphore_mem>>) src(%dma_wait3A_104 : memref<80x128xf32, #tpu.memory_space<vmem>>) dst(%dma_wait3A_100 : memref<80x128xf32, #tpu.memory_space<vmem_shared>>)
      tpu.yield
    }) : () -> ()
    %add3A_22 = arith.constant 240 : i32
    %add3A_23 = arith.addi %mul3A_13, %add3A_22 : i32
    %run_scoped3A_24 = arith.constant 0 : i32
    "tpu.region"() ({
      %run_scoped3A_81 = tpu.sem_alloc : memref<!tpu.dma_semaphore, #tpu.memory_space<semaphore_mem>>
      %dma_start3A_82 = arith.constant 0 : i32
      %dma_start3A_83 = arith.constant 0 : i32
      %dma_start3A_84 = tpu.memref_slice %arg9[%run_scoped3A_24, %dma_start3A_82, %dma_start3A_83] : memref<2x80x128xf32, #tpu.memory_space<vmem>> -> memref<1x80x128xf32, #tpu.memory_space<vmem>>
      %dma_start3A_85 = tpu.memref_squeeze %dma_start3A_84 : memref<1x80x128xf32, #tpu.memory_space<vmem>> -> memref<80x128xf32, #tpu.memory_space<vmem>>
      %dma_start3A_86 = arith.constant 0 : i32
      %dma_start3A_87 = tpu.memref_slice %arg11[%add3A_23, %dma_start3A_86] : memref<10240x128xf32, #tpu.memory_space<vmem_shared>> -> memref<80x128xf32, #tpu.memory_space<vmem_shared>>
      %dma_start3A_88 = arith.constant 0 : i32
      %dma_start3A_89 = tpu.memref_slice %arg11[%add3A_23, %dma_start3A_88] : memref<10240x128xf32, #tpu.memory_space<vmem_shared>> -> memref<80x128xf32, #tpu.memory_space<vmem_shared>>
      %dma_start3A_90 = arith.constant 0 : i32
      %dma_start3A_91 = arith.constant 0 : i32
      %dma_start3A_92 = tpu.memref_slice %arg9[%run_scoped3A_24, %dma_start3A_90, %dma_start3A_91] : memref<2x80x128xf32, #tpu.memory_space<vmem>> -> memref<1x80x128xf32, #tpu.memory_space<vmem>>
      %dma_start3A_93 = tpu.memref_squeeze %dma_start3A_92 : memref<1x80x128xf32, #tpu.memory_space<vmem>> -> memref<80x128xf32, #tpu.memory_space<vmem>>
      tpu.enqueue_dma source(%dma_start3A_93 : memref<80x128xf32, #tpu.memory_space<vmem>>) target(%dma_start3A_89 : memref<80x128xf32, #tpu.memory_space<vmem_shared>>) target_semaphore(%run_scoped3A_81 : memref<!tpu.dma_semaphore, #tpu.memory_space<semaphore_mem>>)
      %dma_wait3A = arith.constant 0 : i32
      %dma_wait3A_94 = arith.constant 0 : i32
      %dma_wait3A_95 = tpu.memref_slice %arg9[%run_scoped3A_24, %dma_wait3A, %dma_wait3A_94] : memref<2x80x128xf32, #tpu.memory_space<vmem>> -> memref<1x80x128xf32, #tpu.memory_space<vmem>>
      %dma_wait3A_96 = tpu.memref_squeeze %dma_wait3A_95 : memref<1x80x128xf32, #tpu.memory_space<vmem>> -> memref<80x128xf32, #tpu.memory_space<vmem>>
      %dma_wait3A_97 = arith.constant 0 : i32
      %dma_wait3A_98 = tpu.memref_slice %arg11[%add3A_23, %dma_wait3A_97] : memref<10240x128xf32, #tpu.memory_space<vmem_shared>> -> memref<80x128xf32, #tpu.memory_space<vmem_shared>>
      %dma_wait3A_99 = arith.constant 0 : i32
      %dma_wait3A_100 = tpu.memref_slice %arg11[%add3A_23, %dma_wait3A_99] : memref<10240x128xf32, #tpu.memory_space<vmem_shared>> -> memref<80x128xf32, #tpu.memory_space<vmem_shared>>
      %dma_wait3A_101 = arith.constant 0 : i32
      %dma_wait3A_102 = arith.constant 0 : i32
      %dma_wait3A_103 = tpu.memref_slice %arg9[%run_scoped3A_24, %dma_wait3A_101, %dma_wait3A_102] : memref<2x80x128xf32, #tpu.memory_space<vmem>> -> memref<1x80x128xf32, #tpu.memory_space<vmem>>
      %dma_wait3A_104 = tpu.memref_squeeze %dma_wait3A_103 : memref<1x80x128xf32, #tpu.memory_space<vmem>> -> memref<80x128xf32, #tpu.memory_space<vmem>>
      tpu.wait_dma2 semaphore(%run_scoped3A_81 : memref<!tpu.dma_semaphore, #tpu.memory_space<semaphore_mem>>) src(%dma_wait3A_104 : memref<80x128xf32, #tpu.memory_space<vmem>>) dst(%dma_wait3A_100 : memref<80x128xf32, #tpu.memory_space<vmem_shared>>)
      tpu.yield
    }) : () -> ()
    %add3A_25 = arith.constant 320 : i32
    %add3A_26 = arith.addi %mul3A_13, %add3A_25 : i32
    %run_scoped3A_27 = arith.constant 0 : i32
    "tpu.region"() ({
      %run_scoped3A_81 = tpu.sem_alloc : memref<!tpu.dma_semaphore, #tpu.memory_space<semaphore_mem>>
      %dma_start3A_82 = arith.constant 0 : i32
      %dma_start3A_83 = arith.constant 0 : i32
      %dma_start3A_84 = tpu.memref_slice %arg9[%run_scoped3A_27, %dma_start3A_82, %dma_start3A_83] : memref<2x80x128xf32, #tpu.memory_space<vmem>> -> memref<1x80x128xf32, #tpu.memory_space<vmem>>
      %dma_start3A_85 = tpu.memref_squeeze %dma_start3A_84 : memref<1x80x128xf32, #tpu.memory_space<vmem>> -> memref<80x128xf32, #tpu.memory_space<vmem>>
      %dma_start3A_86 = arith.constant 0 : i32
      %dma_start3A_87 = tpu.memref_slice %arg11[%add3A_26, %dma_start3A_86] : memref<10240x128xf32, #tpu.memory_space<vmem_shared>> -> memref<80x128xf32, #tpu.memory_space<vmem_shared>>
      %dma_start3A_88 = arith.constant 0 : i32
      %dma_start3A_89 = tpu.memref_slice %arg11[%add3A_26, %dma_start3A_88] : memref<10240x128xf32, #tpu.memory_space<vmem_shared>> -> memref<80x128xf32, #tpu.memory_space<vmem_shared>>
      %dma_start3A_90 = arith.constant 0 : i32
      %dma_start3A_91 = arith.constant 0 : i32
      %dma_start3A_92 = tpu.memref_slice %arg9[%run_scoped3A_27, %dma_start3A_90, %dma_start3A_91] : memref<2x80x128xf32, #tpu.memory_space<vmem>> -> memref<1x80x128xf32, #tpu.memory_space<vmem>>
      %dma_start3A_93 = tpu.memref_squeeze %dma_start3A_92 : memref<1x80x128xf32, #tpu.memory_space<vmem>> -> memref<80x128xf32, #tpu.memory_space<vmem>>
      tpu.enqueue_dma source(%dma_start3A_93 : memref<80x128xf32, #tpu.memory_space<vmem>>) target(%dma_start3A_89 : memref<80x128xf32, #tpu.memory_space<vmem_shared>>) target_semaphore(%run_scoped3A_81 : memref<!tpu.dma_semaphore, #tpu.memory_space<semaphore_mem>>)
      %dma_wait3A = arith.constant 0 : i32
      %dma_wait3A_94 = arith.constant 0 : i32
      %dma_wait3A_95 = tpu.memref_slice %arg9[%run_scoped3A_27, %dma_wait3A, %dma_wait3A_94] : memref<2x80x128xf32, #tpu.memory_space<vmem>> -> memref<1x80x128xf32, #tpu.memory_space<vmem>>
      %dma_wait3A_96 = tpu.memref_squeeze %dma_wait3A_95 : memref<1x80x128xf32, #tpu.memory_space<vmem>> -> memref<80x128xf32, #tpu.memory_space<vmem>>
      %dma_wait3A_97 = arith.constant 0 : i32
      %dma_wait3A_98 = tpu.memref_slice %arg11[%add3A_26, %dma_wait3A_97] : memref<10240x128xf32, #tpu.memory_space<vmem_shared>> -> memref<80x128xf32, #tpu.memory_space<vmem_shared>>
      %dma_wait3A_99 = arith.constant 0 : i32
      %dma_wait3A_100 = tpu.memref_slice %arg11[%add3A_26, %dma_wait3A_99] : memref<10240x128xf32, #tpu.memory_space<vmem_shared>> -> memref<80x128xf32, #tpu.memory_space<vmem_shared>>
      %dma_wait3A_101 = arith.constant 0 : i32
      %dma_wait3A_102 = arith.constant 0 : i32
      %dma_wait3A_103 = tpu.memref_slice %arg9[%run_scoped3A_27, %dma_wait3A_101, %dma_wait3A_102] : memref<2x80x128xf32, #tpu.memory_space<vmem>> -> memref<1x80x128xf32, #tpu.memory_space<vmem>>
      %dma_wait3A_104 = tpu.memref_squeeze %dma_wait3A_103 : memref<1x80x128xf32, #tpu.memory_space<vmem>> -> memref<80x128xf32, #tpu.memory_space<vmem>>
      tpu.wait_dma2 semaphore(%run_scoped3A_81 : memref<!tpu.dma_semaphore, #tpu.memory_space<semaphore_mem>>) src(%dma_wait3A_104 : memref<80x128xf32, #tpu.memory_space<vmem>>) dst(%dma_wait3A_100 : memref<80x128xf32, #tpu.memory_space<vmem_shared>>)
      tpu.yield
    }) : () -> ()
    %add3A_28 = arith.constant 400 : i32
    %add3A_29 = arith.addi %mul3A_13, %add3A_28 : i32
    %run_scoped3A_30 = arith.constant 0 : i32
    "tpu.region"() ({
      %run_scoped3A_81 = tpu.sem_alloc : memref<!tpu.dma_semaphore, #tpu.memory_space<semaphore_mem>>
      %dma_start3A_82 = arith.constant 0 : i32
      %dma_start3A_83 = arith.constant 0 : i32
      %dma_start3A_84 = tpu.memref_slice %arg9[%run_scoped3A_30, %dma_start3A_82, %dma_start3A_83] : memref<2x80x128xf32, #tpu.memory_space<vmem>> -> memref<1x80x128xf32, #tpu.memory_space<vmem>>
      %dma_start3A_85 = tpu.memref_squeeze %dma_start3A_84 : memref<1x80x128xf32, #tpu.memory_space<vmem>> -> memref<80x128xf32, #tpu.memory_space<vmem>>
      %dma_start3A_86 = arith.constant 0 : i32
      %dma_start3A_87 = tpu.memref_slice %arg11[%add3A_29, %dma_start3A_86] : memref<10240x128xf32, #tpu.memory_space<vmem_shared>> -> memref<80x128xf32, #tpu.memory_space<vmem_shared>>
      %dma_start3A_88 = arith.constant 0 : i32
      %dma_start3A_89 = tpu.memref_slice %arg11[%add3A_29, %dma_start3A_88] : memref<10240x128xf32, #tpu.memory_space<vmem_shared>> -> memref<80x128xf32, #tpu.memory_space<vmem_shared>>
      %dma_start3A_90 = arith.constant 0 : i32
      %dma_start3A_91 = arith.constant 0 : i32
      %dma_start3A_92 = tpu.memref_slice %arg9[%run_scoped3A_30, %dma_start3A_90, %dma_start3A_91] : memref<2x80x128xf32, #tpu.memory_space<vmem>> -> memref<1x80x128xf32, #tpu.memory_space<vmem>>
      %dma_start3A_93 = tpu.memref_squeeze %dma_start3A_92 : memref<1x80x128xf32, #tpu.memory_space<vmem>> -> memref<80x128xf32, #tpu.memory_space<vmem>>
      tpu.enqueue_dma source(%dma_start3A_93 : memref<80x128xf32, #tpu.memory_space<vmem>>) target(%dma_start3A_89 : memref<80x128xf32, #tpu.memory_space<vmem_shared>>) target_semaphore(%run_scoped3A_81 : memref<!tpu.dma_semaphore, #tpu.memory_space<semaphore_mem>>)
      %dma_wait3A = arith.constant 0 : i32
      %dma_wait3A_94 = arith.constant 0 : i32
      %dma_wait3A_95 = tpu.memref_slice %arg9[%run_scoped3A_30, %dma_wait3A, %dma_wait3A_94] : memref<2x80x128xf32, #tpu.memory_space<vmem>> -> memref<1x80x128xf32, #tpu.memory_space<vmem>>
      %dma_wait3A_96 = tpu.memref_squeeze %dma_wait3A_95 : memref<1x80x128xf32, #tpu.memory_space<vmem>> -> memref<80x128xf32, #tpu.memory_space<vmem>>
      %dma_wait3A_97 = arith.constant 0 : i32
      %dma_wait3A_98 = tpu.memref_slice %arg11[%add3A_29, %dma_wait3A_97] : memref<10240x128xf32, #tpu.memory_space<vmem_shared>> -> memref<80x128xf32, #tpu.memory_space<vmem_shared>>
      %dma_wait3A_99 = arith.constant 0 : i32
      %dma_wait3A_100 = tpu.memref_slice %arg11[%add3A_29, %dma_wait3A_99] : memref<10240x128xf32, #tpu.memory_space<vmem_shared>> -> memref<80x128xf32, #tpu.memory_space<vmem_shared>>
      %dma_wait3A_101 = arith.constant 0 : i32
      %dma_wait3A_102 = arith.constant 0 : i32
      %dma_wait3A_103 = tpu.memref_slice %arg9[%run_scoped3A_30, %dma_wait3A_101, %dma_wait3A_102] : memref<2x80x128xf32, #tpu.memory_space<vmem>> -> memref<1x80x128xf32, #tpu.memory_space<vmem>>
      %dma_wait3A_104 = tpu.memref_squeeze %dma_wait3A_103 : memref<1x80x128xf32, #tpu.memory_space<vmem>> -> memref<80x128xf32, #tpu.memory_space<vmem>>
      tpu.wait_dma2 semaphore(%run_scoped3A_81 : memref<!tpu.dma_semaphore, #tpu.memory_space<semaphore_mem>>) src(%dma_wait3A_104 : memref<80x128xf32, #tpu.memory_space<vmem>>) dst(%dma_wait3A_100 : memref<80x128xf32, #tpu.memory_space<vmem_shared>>)
      tpu.yield
    }) : () -> ()
    %add3A_31 = arith.constant 480 : i32
    %add3A_32 = arith.addi %mul3A_13, %add3A_31 : i32
    %run_scoped3A_33 = arith.constant 0 : i32
    "tpu.region"() ({
      %run_scoped3A_81 = tpu.sem_alloc : memref<!tpu.dma_semaphore, #tpu.memory_space<semaphore_mem>>
      %dma_start3A_82 = arith.constant 0 : i32
      %dma_start3A_83 = arith.constant 0 : i32
      %dma_start3A_84 = tpu.memref_slice %arg9[%run_scoped3A_33, %dma_start3A_82, %dma_start3A_83] : memref<2x80x128xf32, #tpu.memory_space<vmem>> -> memref<1x80x128xf32, #tpu.memory_space<vmem>>
      %dma_start3A_85 = tpu.memref_squeeze %dma_start3A_84 : memref<1x80x128xf32, #tpu.memory_space<vmem>> -> memref<80x128xf32, #tpu.memory_space<vmem>>
      %dma_start3A_86 = arith.constant 0 : i32
      %dma_start3A_87 = tpu.memref_slice %arg11[%add3A_32, %dma_start3A_86] : memref<10240x128xf32, #tpu.memory_space<vmem_shared>> -> memref<80x128xf32, #tpu.memory_space<vmem_shared>>
      %dma_start3A_88 = arith.constant 0 : i32
      %dma_start3A_89 = tpu.memref_slice %arg11[%add3A_32, %dma_start3A_88] : memref<10240x128xf32, #tpu.memory_space<vmem_shared>> -> memref<80x128xf32, #tpu.memory_space<vmem_shared>>
      %dma_start3A_90 = arith.constant 0 : i32
      %dma_start3A_91 = arith.constant 0 : i32
      %dma_start3A_92 = tpu.memref_slice %arg9[%run_scoped3A_33, %dma_start3A_90, %dma_start3A_91] : memref<2x80x128xf32, #tpu.memory_space<vmem>> -> memref<1x80x128xf32, #tpu.memory_space<vmem>>
      %dma_start3A_93 = tpu.memref_squeeze %dma_start3A_92 : memref<1x80x128xf32, #tpu.memory_space<vmem>> -> memref<80x128xf32, #tpu.memory_space<vmem>>
      tpu.enqueue_dma source(%dma_start3A_93 : memref<80x128xf32, #tpu.memory_space<vmem>>) target(%dma_start3A_89 : memref<80x128xf32, #tpu.memory_space<vmem_shared>>) target_semaphore(%run_scoped3A_81 : memref<!tpu.dma_semaphore, #tpu.memory_space<semaphore_mem>>)
      %dma_wait3A = arith.constant 0 : i32
      %dma_wait3A_94 = arith.constant 0 : i32
      %dma_wait3A_95 = tpu.memref_slice %arg9[%run_scoped3A_33, %dma_wait3A, %dma_wait3A_94] : memref<2x80x128xf32, #tpu.memory_space<vmem>> -> memref<1x80x128xf32, #tpu.memory_space<vmem>>
      %dma_wait3A_96 = tpu.memref_squeeze %dma_wait3A_95 : memref<1x80x128xf32, #tpu.memory_space<vmem>> -> memref<80x128xf32, #tpu.memory_space<vmem>>
      %dma_wait3A_97 = arith.constant 0 : i32
      %dma_wait3A_98 = tpu.memref_slice %arg11[%add3A_32, %dma_wait3A_97] : memref<10240x128xf32, #tpu.memory_space<vmem_shared>> -> memref<80x128xf32, #tpu.memory_space<vmem_shared>>
      %dma_wait3A_99 = arith.constant 0 : i32
      %dma_wait3A_100 = tpu.memref_slice %arg11[%add3A_32, %dma_wait3A_99] : memref<10240x128xf32, #tpu.memory_space<vmem_shared>> -> memref<80x128xf32, #tpu.memory_space<vmem_shared>>
      %dma_wait3A_101 = arith.constant 0 : i32
      %dma_wait3A_102 = arith.constant 0 : i32
      %dma_wait3A_103 = tpu.memref_slice %arg9[%run_scoped3A_33, %dma_wait3A_101, %dma_wait3A_102] : memref<2x80x128xf32, #tpu.memory_space<vmem>> -> memref<1x80x128xf32, #tpu.memory_space<vmem>>
      %dma_wait3A_104 = tpu.memref_squeeze %dma_wait3A_103 : memref<1x80x128xf32, #tpu.memory_space<vmem>> -> memref<80x128xf32, #tpu.memory_space<vmem>>
      tpu.wait_dma2 semaphore(%run_scoped3A_81 : memref<!tpu.dma_semaphore, #tpu.memory_space<semaphore_mem>>) src(%dma_wait3A_104 : memref<80x128xf32, #tpu.memory_space<vmem>>) dst(%dma_wait3A_100 : memref<80x128xf32, #tpu.memory_space<vmem_shared>>)
      tpu.yield
    }) : () -> ()
    %add3A_34 = arith.constant 560 : i32
    %add3A_35 = arith.addi %mul3A_13, %add3A_34 : i32
    %run_scoped3A_36 = arith.constant 0 : i32
    "tpu.region"() ({
      %run_scoped3A_81 = tpu.sem_alloc : memref<!tpu.dma_semaphore, #tpu.memory_space<semaphore_mem>>
      %dma_start3A_82 = arith.constant 0 : i32
      %dma_start3A_83 = arith.constant 0 : i32
      %dma_start3A_84 = tpu.memref_slice %arg9[%run_scoped3A_36, %dma_start3A_82, %dma_start3A_83] : memref<2x80x128xf32, #tpu.memory_space<vmem>> -> memref<1x80x128xf32, #tpu.memory_space<vmem>>
      %dma_start3A_85 = tpu.memref_squeeze %dma_start3A_84 : memref<1x80x128xf32, #tpu.memory_space<vmem>> -> memref<80x128xf32, #tpu.memory_space<vmem>>
      %dma_start3A_86 = arith.constant 0 : i32
      %dma_start3A_87 = tpu.memref_slice %arg11[%add3A_35, %dma_start3A_86] : memref<10240x128xf32, #tpu.memory_space<vmem_shared>> -> memref<80x128xf32, #tpu.memory_space<vmem_shared>>
      %dma_start3A_88 = arith.constant 0 : i32
      %dma_start3A_89 = tpu.memref_slice %arg11[%add3A_35, %dma_start3A_88] : memref<10240x128xf32, #tpu.memory_space<vmem_shared>> -> memref<80x128xf32, #tpu.memory_space<vmem_shared>>
      %dma_start3A_90 = arith.constant 0 : i32
      %dma_start3A_91 = arith.constant 0 : i32
      %dma_start3A_92 = tpu.memref_slice %arg9[%run_scoped3A_36, %dma_start3A_90, %dma_start3A_91] : memref<2x80x128xf32, #tpu.memory_space<vmem>> -> memref<1x80x128xf32, #tpu.memory_space<vmem>>
      %dma_start3A_93 = tpu.memref_squeeze %dma_start3A_92 : memref<1x80x128xf32, #tpu.memory_space<vmem>> -> memref<80x128xf32, #tpu.memory_space<vmem>>
      tpu.enqueue_dma source(%dma_start3A_93 : memref<80x128xf32, #tpu.memory_space<vmem>>) target(%dma_start3A_89 : memref<80x128xf32, #tpu.memory_space<vmem_shared>>) target_semaphore(%run_scoped3A_81 : memref<!tpu.dma_semaphore, #tpu.memory_space<semaphore_mem>>)
      %dma_wait3A = arith.constant 0 : i32
      %dma_wait3A_94 = arith.constant 0 : i32
      %dma_wait3A_95 = tpu.memref_slice %arg9[%run_scoped3A_36, %dma_wait3A, %dma_wait3A_94] : memref<2x80x128xf32, #tpu.memory_space<vmem>> -> memref<1x80x128xf32, #tpu.memory_space<vmem>>
      %dma_wait3A_96 = tpu.memref_squeeze %dma_wait3A_95 : memref<1x80x128xf32, #tpu.memory_space<vmem>> -> memref<80x128xf32, #tpu.memory_space<vmem>>
      %dma_wait3A_97 = arith.constant 0 : i32
      %dma_wait3A_98 = tpu.memref_slice %arg11[%add3A_35, %dma_wait3A_97] : memref<10240x128xf32, #tpu.memory_space<vmem_shared>> -> memref<80x128xf32, #tpu.memory_space<vmem_shared>>
      %dma_wait3A_99 = arith.constant 0 : i32
      %dma_wait3A_100 = tpu.memref_slice %arg11[%add3A_35, %dma_wait3A_99] : memref<10240x128xf32, #tpu.memory_space<vmem_shared>> -> memref<80x128xf32, #tpu.memory_space<vmem_shared>>
      %dma_wait3A_101 = arith.constant 0 : i32
      %dma_wait3A_102 = arith.constant 0 : i32
      %dma_wait3A_103 = tpu.memref_slice %arg9[%run_scoped3A_36, %dma_wait3A_101, %dma_wait3A_102] : memref<2x80x128xf32, #tpu.memory_space<vmem>> -> memref<1x80x128xf32, #tpu.memory_space<vmem>>
      %dma_wait3A_104 = tpu.memref_squeeze %dma_wait3A_103 : memref<1x80x128xf32, #tpu.memory_space<vmem>> -> memref<80x128xf32, #tpu.memory_space<vmem>>
      tpu.wait_dma2 semaphore(%run_scoped3A_81 : memref<!tpu.dma_semaphore, #tpu.memory_space<semaphore_mem>>) src(%dma_wait3A_104 : memref<80x128xf32, #tpu.memory_space<vmem>>) dst(%dma_wait3A_100 : memref<80x128xf32, #tpu.memory_space<vmem_shared>>)
      tpu.yield
    }) : () -> ()
    %add3A_37 = arith.constant 0 : i32
    %add3A_38 = arith.addi %mul3A_13, %add3A_37 : i32
    %run_scoped3A_39 = arith.constant 0 : i32
    %run_scoped3A_40 = arith.constant 0 : i32
    "tpu.region"() ({
      %run_scoped3A_81 = tpu.sem_alloc : memref<!tpu.dma_semaphore, #tpu.memory_space<semaphore_mem>>
      %dma_start3A_82 = arith.constant 0 : i32
      %dma_start3A_83 = tpu.memref_slice %arg9[%run_scoped3A_39, %run_scoped3A_40, %dma_start3A_82] : memref<2x80x128xf32, #tpu.memory_space<vmem>> -> memref<1x1x128xf32, #tpu.memory_space<vmem>>
      %dma_start3A_84 = tpu.memref_squeeze %dma_start3A_83 : memref<1x1x128xf32, #tpu.memory_space<vmem>> -> memref<128xf32, #tpu.memory_space<vmem>>
      %dma_start3A_85 = tpu.memref_slice %arg12[%add3A_38] : memref<10240xf32, #tpu.memory_space<vmem_shared>> -> memref<128xf32, #tpu.memory_space<vmem_shared>>
      %dma_start3A_86 = tpu.memref_slice %arg12[%add3A_38] : memref<10240xf32, #tpu.memory_space<vmem_shared>> -> memref<128xf32, #tpu.memory_space<vmem_shared>>
      %dma_start3A_87 = arith.constant 0 : i32
      %dma_start3A_88 = tpu.memref_slice %arg9[%run_scoped3A_39, %run_scoped3A_40, %dma_start3A_87] : memref<2x80x128xf32, #tpu.memory_space<vmem>> -> memref<1x1x128xf32, #tpu.memory_space<vmem>>
      %dma_start3A_89 = tpu.memref_squeeze %dma_start3A_88 : memref<1x1x128xf32, #tpu.memory_space<vmem>> -> memref<128xf32, #tpu.memory_space<vmem>>
      tpu.enqueue_dma source(%dma_start3A_89 : memref<128xf32, #tpu.memory_space<vmem>>) target(%dma_start3A_86 : memref<128xf32, #tpu.memory_space<vmem_shared>>) target_semaphore(%run_scoped3A_81 : memref<!tpu.dma_semaphore, #tpu.memory_space<semaphore_mem>>)
      %dma_wait3A = arith.constant 0 : i32
      %dma_wait3A_90 = tpu.memref_slice %arg9[%run_scoped3A_39, %run_scoped3A_40, %dma_wait3A] : memref<2x80x128xf32, #tpu.memory_space<vmem>> -> memref<1x1x128xf32, #tpu.memory_space<vmem>>
      %dma_wait3A_91 = tpu.memref_squeeze %dma_wait3A_90 : memref<1x1x128xf32, #tpu.memory_space<vmem>> -> memref<128xf32, #tpu.memory_space<vmem>>
      %dma_wait3A_92 = tpu.memref_slice %arg12[%add3A_38] : memref<10240xf32, #tpu.memory_space<vmem_shared>> -> memref<128xf32, #tpu.memory_space<vmem_shared>>
      %dma_wait3A_93 = tpu.memref_slice %arg12[%add3A_38] : memref<10240xf32, #tpu.memory_space<vmem_shared>> -> memref<128xf32, #tpu.memory_space<vmem_shared>>
      %dma_wait3A_94 = arith.constant 0 : i32
      %dma_wait3A_95 = tpu.memref_slice %arg9[%run_scoped3A_39, %run_scoped3A_40, %dma_wait3A_94] : memref<2x80x128xf32, #tpu.memory_space<vmem>> -> memref<1x1x128xf32, #tpu.memory_space<vmem>>
      %dma_wait3A_96 = tpu.memref_squeeze %dma_wait3A_95 : memref<1x1x128xf32, #tpu.memory_space<vmem>> -> memref<128xf32, #tpu.memory_space<vmem>>
      tpu.wait_dma2 semaphore(%run_scoped3A_81 : memref<!tpu.dma_semaphore, #tpu.memory_space<semaphore_mem>>) src(%dma_wait3A_96 : memref<128xf32, #tpu.memory_space<vmem>>) dst(%dma_wait3A_93 : memref<128xf32, #tpu.memory_space<vmem_shared>>)
      tpu.yield
    }) : () -> ()
    %add3A_41 = arith.constant 128 : i32
    %add3A_42 = arith.addi %mul3A_13, %add3A_41 : i32
    %run_scoped3A_43 = arith.constant 0 : i32
    %run_scoped3A_44 = arith.constant 1 : i32
    "tpu.region"() ({
      %run_scoped3A_81 = tpu.sem_alloc : memref<!tpu.dma_semaphore, #tpu.memory_space<semaphore_mem>>
      %dma_start3A_82 = arith.constant 0 : i32
      %dma_start3A_83 = tpu.memref_slice %arg9[%run_scoped3A_43, %run_scoped3A_44, %dma_start3A_82] : memref<2x80x128xf32, #tpu.memory_space<vmem>> -> memref<1x1x128xf32, #tpu.memory_space<vmem>>
      %dma_start3A_84 = tpu.memref_squeeze %dma_start3A_83 : memref<1x1x128xf32, #tpu.memory_space<vmem>> -> memref<128xf32, #tpu.memory_space<vmem>>
      %dma_start3A_85 = tpu.memref_slice %arg12[%add3A_42] : memref<10240xf32, #tpu.memory_space<vmem_shared>> -> memref<128xf32, #tpu.memory_space<vmem_shared>>
      %dma_start3A_86 = tpu.memref_slice %arg12[%add3A_42] : memref<10240xf32, #tpu.memory_space<vmem_shared>> -> memref<128xf32, #tpu.memory_space<vmem_shared>>
      %dma_start3A_87 = arith.constant 0 : i32
      %dma_start3A_88 = tpu.memref_slice %arg9[%run_scoped3A_43, %run_scoped3A_44, %dma_start3A_87] : memref<2x80x128xf32, #tpu.memory_space<vmem>> -> memref<1x1x128xf32, #tpu.memory_space<vmem>>
      %dma_start3A_89 = tpu.memref_squeeze %dma_start3A_88 : memref<1x1x128xf32, #tpu.memory_space<vmem>> -> memref<128xf32, #tpu.memory_space<vmem>>
      tpu.enqueue_dma source(%dma_start3A_89 : memref<128xf32, #tpu.memory_space<vmem>>) target(%dma_start3A_86 : memref<128xf32, #tpu.memory_space<vmem_shared>>) target_semaphore(%run_scoped3A_81 : memref<!tpu.dma_semaphore, #tpu.memory_space<semaphore_mem>>)
      %dma_wait3A = arith.constant 0 : i32
      %dma_wait3A_90 = tpu.memref_slice %arg9[%run_scoped3A_43, %run_scoped3A_44, %dma_wait3A] : memref<2x80x128xf32, #tpu.memory_space<vmem>> -> memref<1x1x128xf32, #tpu.memory_space<vmem>>
      %dma_wait3A_91 = tpu.memref_squeeze %dma_wait3A_90 : memref<1x1x128xf32, #tpu.memory_space<vmem>> -> memref<128xf32, #tpu.memory_space<vmem>>
      %dma_wait3A_92 = tpu.memref_slice %arg12[%add3A_42] : memref<10240xf32, #tpu.memory_space<vmem_shared>> -> memref<128xf32, #tpu.memory_space<vmem_shared>>
      %dma_wait3A_93 = tpu.memref_slice %arg12[%add3A_42] : memref<10240xf32, #tpu.memory_space<vmem_shared>> -> memref<128xf32, #tpu.memory_space<vmem_shared>>
      %dma_wait3A_94 = arith.constant 0 : i32
      %dma_wait3A_95 = tpu.memref_slice %arg9[%run_scoped3A_43, %run_scoped3A_44, %dma_wait3A_94] : memref<2x80x128xf32, #tpu.memory_space<vmem>> -> memref<1x1x128xf32, #tpu.memory_space<vmem>>
      %dma_wait3A_96 = tpu.memref_squeeze %dma_wait3A_95 : memref<1x1x128xf32, #tpu.memory_space<vmem>> -> memref<128xf32, #tpu.memory_space<vmem>>
      tpu.wait_dma2 semaphore(%run_scoped3A_81 : memref<!tpu.dma_semaphore, #tpu.memory_space<semaphore_mem>>) src(%dma_wait3A_96 : memref<128xf32, #tpu.memory_space<vmem>>) dst(%dma_wait3A_93 : memref<128xf32, #tpu.memory_space<vmem_shared>>)
      tpu.yield
    }) : () -> ()
    %add3A_45 = arith.constant 256 : i32
    %add3A_46 = arith.addi %mul3A_13, %add3A_45 : i32
    %run_scoped3A_47 = arith.constant 0 : i32
    %run_scoped3A_48 = arith.constant 2 : i32
    "tpu.region"() ({
      %run_scoped3A_81 = tpu.sem_alloc : memref<!tpu.dma_semaphore, #tpu.memory_space<semaphore_mem>>
      %dma_start3A_82 = arith.constant 0 : i32
      %dma_start3A_83 = tpu.memref_slice %arg9[%run_scoped3A_47, %run_scoped3A_48, %dma_start3A_82] : memref<2x80x128xf32, #tpu.memory_space<vmem>> -> memref<1x1x128xf32, #tpu.memory_space<vmem>>
      %dma_start3A_84 = tpu.memref_squeeze %dma_start3A_83 : memref<1x1x128xf32, #tpu.memory_space<vmem>> -> memref<128xf32, #tpu.memory_space<vmem>>
      %dma_start3A_85 = tpu.memref_slice %arg12[%add3A_46] : memref<10240xf32, #tpu.memory_space<vmem_shared>> -> memref<128xf32, #tpu.memory_space<vmem_shared>>
      %dma_start3A_86 = tpu.memref_slice %arg12[%add3A_46] : memref<10240xf32, #tpu.memory_space<vmem_shared>> -> memref<128xf32, #tpu.memory_space<vmem_shared>>
      %dma_start3A_87 = arith.constant 0 : i32
      %dma_start3A_88 = tpu.memref_slice %arg9[%run_scoped3A_47, %run_scoped3A_48, %dma_start3A_87] : memref<2x80x128xf32, #tpu.memory_space<vmem>> -> memref<1x1x128xf32, #tpu.memory_space<vmem>>
      %dma_start3A_89 = tpu.memref_squeeze %dma_start3A_88 : memref<1x1x128xf32, #tpu.memory_space<vmem>> -> memref<128xf32, #tpu.memory_space<vmem>>
      tpu.enqueue_dma source(%dma_start3A_89 : memref<128xf32, #tpu.memory_space<vmem>>) target(%dma_start3A_86 : memref<128xf32, #tpu.memory_space<vmem_shared>>) target_semaphore(%run_scoped3A_81 : memref<!tpu.dma_semaphore, #tpu.memory_space<semaphore_mem>>)
      %dma_wait3A = arith.constant 0 : i32
      %dma_wait3A_90 = tpu.memref_slice %arg9[%run_scoped3A_47, %run_scoped3A_48, %dma_wait3A] : memref<2x80x128xf32, #tpu.memory_space<vmem>> -> memref<1x1x128xf32, #tpu.memory_space<vmem>>
      %dma_wait3A_91 = tpu.memref_squeeze %dma_wait3A_90 : memref<1x1x128xf32, #tpu.memory_space<vmem>> -> memref<128xf32, #tpu.memory_space<vmem>>
      %dma_wait3A_92 = tpu.memref_slice %arg12[%add3A_46] : memref<10240xf32, #tpu.memory_space<vmem_shared>> -> memref<128xf32, #tpu.memory_space<vmem_shared>>
      %dma_wait3A_93 = tpu.memref_slice %arg12[%add3A_46] : memref<10240xf32, #tpu.memory_space<vmem_shared>> -> memref<128xf32, #tpu.memory_space<vmem_shared>>
      %dma_wait3A_94 = arith.constant 0 : i32
      %dma_wait3A_95 = tpu.memref_slice %arg9[%run_scoped3A_47, %run_scoped3A_48, %dma_wait3A_94] : memref<2x80x128xf32, #tpu.memory_space<vmem>> -> memref<1x1x128xf32, #tpu.memory_space<vmem>>
      %dma_wait3A_96 = tpu.memref_squeeze %dma_wait3A_95 : memref<1x1x128xf32, #tpu.memory_space<vmem>> -> memref<128xf32, #tpu.memory_space<vmem>>
      tpu.wait_dma2 semaphore(%run_scoped3A_81 : memref<!tpu.dma_semaphore, #tpu.memory_space<semaphore_mem>>) src(%dma_wait3A_96 : memref<128xf32, #tpu.memory_space<vmem>>) dst(%dma_wait3A_93 : memref<128xf32, #tpu.memory_space<vmem_shared>>)
      tpu.yield
    }) : () -> ()
    %add3A_49 = arith.constant 384 : i32
    %add3A_50 = arith.addi %mul3A_13, %add3A_49 : i32
    %run_scoped3A_51 = arith.constant 0 : i32
    %run_scoped3A_52 = arith.constant 3 : i32
    "tpu.region"() ({
      %run_scoped3A_81 = tpu.sem_alloc : memref<!tpu.dma_semaphore, #tpu.memory_space<semaphore_mem>>
      %dma_start3A_82 = arith.constant 0 : i32
      %dma_start3A_83 = tpu.memref_slice %arg9[%run_scoped3A_51, %run_scoped3A_52, %dma_start3A_82] : memref<2x80x128xf32, #tpu.memory_space<vmem>> -> memref<1x1x128xf32, #tpu.memory_space<vmem>>
      %dma_start3A_84 = tpu.memref_squeeze %dma_start3A_83 : memref<1x1x128xf32, #tpu.memory_space<vmem>> -> memref<128xf32, #tpu.memory_space<vmem>>
      %dma_start3A_85 = tpu.memref_slice %arg12[%add3A_50] : memref<10240xf32, #tpu.memory_space<vmem_shared>> -> memref<128xf32, #tpu.memory_space<vmem_shared>>
      %dma_start3A_86 = tpu.memref_slice %arg12[%add3A_50] : memref<10240xf32, #tpu.memory_space<vmem_shared>> -> memref<128xf32, #tpu.memory_space<vmem_shared>>
      %dma_start3A_87 = arith.constant 0 : i32
      %dma_start3A_88 = tpu.memref_slice %arg9[%run_scoped3A_51, %run_scoped3A_52, %dma_start3A_87] : memref<2x80x128xf32, #tpu.memory_space<vmem>> -> memref<1x1x128xf32, #tpu.memory_space<vmem>>
      %dma_start3A_89 = tpu.memref_squeeze %dma_start3A_88 : memref<1x1x128xf32, #tpu.memory_space<vmem>> -> memref<128xf32, #tpu.memory_space<vmem>>
      tpu.enqueue_dma source(%dma_start3A_89 : memref<128xf32, #tpu.memory_space<vmem>>) target(%dma_start3A_86 : memref<128xf32, #tpu.memory_space<vmem_shared>>) target_semaphore(%run_scoped3A_81 : memref<!tpu.dma_semaphore, #tpu.memory_space<semaphore_mem>>)
      %dma_wait3A = arith.constant 0 : i32
      %dma_wait3A_90 = tpu.memref_slice %arg9[%run_scoped3A_51, %run_scoped3A_52, %dma_wait3A] : memref<2x80x128xf32, #tpu.memory_space<vmem>> -> memref<1x1x128xf32, #tpu.memory_space<vmem>>
      %dma_wait3A_91 = tpu.memref_squeeze %dma_wait3A_90 : memref<1x1x128xf32, #tpu.memory_space<vmem>> -> memref<128xf32, #tpu.memory_space<vmem>>
      %dma_wait3A_92 = tpu.memref_slice %arg12[%add3A_50] : memref<10240xf32, #tpu.memory_space<vmem_shared>> -> memref<128xf32, #tpu.memory_space<vmem_shared>>
      %dma_wait3A_93 = tpu.memref_slice %arg12[%add3A_50] : memref<10240xf32, #tpu.memory_space<vmem_shared>> -> memref<128xf32, #tpu.memory_space<vmem_shared>>
      %dma_wait3A_94 = arith.constant 0 : i32
      %dma_wait3A_95 = tpu.memref_slice %arg9[%run_scoped3A_51, %run_scoped3A_52, %dma_wait3A_94] : memref<2x80x128xf32, #tpu.memory_space<vmem>> -> memref<1x1x128xf32, #tpu.memory_space<vmem>>
      %dma_wait3A_96 = tpu.memref_squeeze %dma_wait3A_95 : memref<1x1x128xf32, #tpu.memory_space<vmem>> -> memref<128xf32, #tpu.memory_space<vmem>>
      tpu.wait_dma2 semaphore(%run_scoped3A_81 : memref<!tpu.dma_semaphore, #tpu.memory_space<semaphore_mem>>) src(%dma_wait3A_96 : memref<128xf32, #tpu.memory_space<vmem>>) dst(%dma_wait3A_93 : memref<128xf32, #tpu.memory_space<vmem_shared>>)
      tpu.yield
    }) : () -> ()
    %add3A_53 = arith.constant 512 : i32
    %add3A_54 = arith.addi %mul3A_13, %add3A_53 : i32
    %run_scoped3A_55 = arith.constant 0 : i32
    %run_scoped3A_56 = arith.constant 4 : i32
    "tpu.region"() ({
      %run_scoped3A_81 = tpu.sem_alloc : memref<!tpu.dma_semaphore, #tpu.memory_space<semaphore_mem>>
      %dma_start3A_82 = arith.constant 0 : i32
      %dma_start3A_83 = tpu.memref_slice %arg9[%run_scoped3A_55, %run_scoped3A_56, %dma_start3A_82] : memref<2x80x128xf32, #tpu.memory_space<vmem>> -> memref<1x1x128xf32, #tpu.memory_space<vmem>>
      %dma_start3A_84 = tpu.memref_squeeze %dma_start3A_83 : memref<1x1x128xf32, #tpu.memory_space<vmem>> -> memref<128xf32, #tpu.memory_space<vmem>>
      %dma_start3A_85 = tpu.memref_slice %arg12[%add3A_54] : memref<10240xf32, #tpu.memory_space<vmem_shared>> -> memref<128xf32, #tpu.memory_space<vmem_shared>>
      %dma_start3A_86 = tpu.memref_slice %arg12[%add3A_54] : memref<10240xf32, #tpu.memory_space<vmem_shared>> -> memref<128xf32, #tpu.memory_space<vmem_shared>>
      %dma_start3A_87 = arith.constant 0 : i32
      %dma_start3A_88 = tpu.memref_slice %arg9[%run_scoped3A_55, %run_scoped3A_56, %dma_start3A_87] : memref<2x80x128xf32, #tpu.memory_space<vmem>> -> memref<1x1x128xf32, #tpu.memory_space<vmem>>
      %dma_start3A_89 = tpu.memref_squeeze %dma_start3A_88 : memref<1x1x128xf32, #tpu.memory_space<vmem>> -> memref<128xf32, #tpu.memory_space<vmem>>
      tpu.enqueue_dma source(%dma_start3A_89 : memref<128xf32, #tpu.memory_space<vmem>>) target(%dma_start3A_86 : memref<128xf32, #tpu.memory_space<vmem_shared>>) target_semaphore(%run_scoped3A_81 : memref<!tpu.dma_semaphore, #tpu.memory_space<semaphore_mem>>)
      %dma_wait3A = arith.constant 0 : i32
      %dma_wait3A_90 = tpu.memref_slice %arg9[%run_scoped3A_55, %run_scoped3A_56, %dma_wait3A] : memref<2x80x128xf32, #tpu.memory_space<vmem>> -> memref<1x1x128xf32, #tpu.memory_space<vmem>>
      %dma_wait3A_91 = tpu.memref_squeeze %dma_wait3A_90 : memref<1x1x128xf32, #tpu.memory_space<vmem>> -> memref<128xf32, #tpu.memory_space<vmem>>
      %dma_wait3A_92 = tpu.memref_slice %arg12[%add3A_54] : memref<10240xf32, #tpu.memory_space<vmem_shared>> -> memref<128xf32, #tpu.memory_space<vmem_shared>>
      %dma_wait3A_93 = tpu.memref_slice %arg12[%add3A_54] : memref<10240xf32, #tpu.memory_space<vmem_shared>> -> memref<128xf32, #tpu.memory_space<vmem_shared>>
      %dma_wait3A_94 = arith.constant 0 : i32
      %dma_wait3A_95 = tpu.memref_slice %arg9[%run_scoped3A_55, %run_scoped3A_56, %dma_wait3A_94] : memref<2x80x128xf32, #tpu.memory_space<vmem>> -> memref<1x1x128xf32, #tpu.memory_space<vmem>>
      %dma_wait3A_96 = tpu.memref_squeeze %dma_wait3A_95 : memref<1x1x128xf32, #tpu.memory_space<vmem>> -> memref<128xf32, #tpu.memory_space<vmem>>
      tpu.wait_dma2 semaphore(%run_scoped3A_81 : memref<!tpu.dma_semaphore, #tpu.memory_space<semaphore_mem>>) src(%dma_wait3A_96 : memref<128xf32, #tpu.memory_space<vmem>>) dst(%dma_wait3A_93 : memref<128xf32, #tpu.memory_space<vmem_shared>>)
      tpu.yield
    }) : () -> ()
    "tpu.region"() ({
      %run_scoped3A_81 = tpu.sem_alloc : memref<!tpu.dma_semaphore, #tpu.memory_space<semaphore_mem>>
      %dma_start3A_82 = arith.constant 0 : i32
      %dma_start3A_83 = arith.constant 0 : i32
      %dma_start3A_84 = tpu.memref_slice %arg4[%add3A, %dma_start3A_82, %dma_start3A_83] : memref<32x126x80xi32, #tpu.memory_space<hbm>> -> memref<1x126x80xi32, #tpu.memory_space<hbm>>
      %dma_start3A_85 = tpu.memref_squeeze %dma_start3A_84 : memref<1x126x80xi32, #tpu.memory_space<hbm>> -> memref<126x80xi32, #tpu.memory_space<hbm>>
      %dma_start3A_86 = arith.constant 0 : i32
      %dma_start3A_87 = arith.constant 0 : i32
      %dma_start3A_88 = tpu.memref_slice %arg4[%add3A, %dma_start3A_86, %dma_start3A_87] : memref<32x126x80xi32, #tpu.memory_space<hbm>> -> memref<1x126x80xi32, #tpu.memory_space<hbm>>
      %dma_start3A_89 = tpu.memref_squeeze %dma_start3A_88 : memref<1x126x80xi32, #tpu.memory_space<hbm>> -> memref<126x80xi32, #tpu.memory_space<hbm>>
      tpu.enqueue_dma source(%dma_start3A_89 : memref<126x80xi32, #tpu.memory_space<hbm>>) target(%arg7 : memref<126x80xi32, #tpu.memory_space<vmem>>) target_semaphore(%run_scoped3A_81 : memref<!tpu.dma_semaphore, #tpu.memory_space<semaphore_mem>>)
      %dma_wait3A = arith.constant 0 : i32
      %dma_wait3A_90 = arith.constant 0 : i32
      %dma_wait3A_91 = tpu.memref_slice %arg4[%add3A, %dma_wait3A, %dma_wait3A_90] : memref<32x126x80xi32, #tpu.memory_space<hbm>> -> memref<1x126x80xi32, #tpu.memory_space<hbm>>
      %dma_wait3A_92 = tpu.memref_squeeze %dma_wait3A_91 : memref<1x126x80xi32, #tpu.memory_space<hbm>> -> memref<126x80xi32, #tpu.memory_space<hbm>>
      %dma_wait3A_93 = arith.constant 0 : i32
      %dma_wait3A_94 = arith.constant 0 : i32
      %dma_wait3A_95 = tpu.memref_slice %arg4[%add3A, %dma_wait3A_93, %dma_wait3A_94] : memref<32x126x80xi32, #tpu.memory_space<hbm>> -> memref<1x126x80xi32, #tpu.memory_space<hbm>>
      %dma_wait3A_96 = tpu.memref_squeeze %dma_wait3A_95 : memref<1x126x80xi32, #tpu.memory_space<hbm>> -> memref<126x80xi32, #tpu.memory_space<hbm>>
      tpu.wait_dma2 semaphore(%run_scoped3A_81 : memref<!tpu.dma_semaphore, #tpu.memory_space<semaphore_mem>>) src(%dma_wait3A_96 : memref<126x80xi32, #tpu.memory_space<hbm>>) dst(%arg7 : memref<126x80xi32, #tpu.memory_space<vmem>>)
      tpu.yield
    }) : () -> ()
    %mul3A_57 = arith.constant 10080 : i32
    %mul3A_58 = arith.muli %add3A, %mul3A_57 : i32
    "tpu.region"() ({
      %run_scoped3A_81 = tpu.sem_alloc : memref<!tpu.dma_semaphore, #tpu.memory_space<semaphore_mem>>
      %dma_start3A_82 = tpu.memref_slice %arg3[%mul3A_58] : memref<322560xi32, #tpu.memory_space<hbm>> -> memref<10080xi32, #tpu.memory_space<hbm>>
      %dma_start3A_83 = tpu.memref_slice %arg3[%mul3A_58] : memref<322560xi32, #tpu.memory_space<hbm>> -> memref<10080xi32, #tpu.memory_space<hbm>>
      tpu.enqueue_dma source(%dma_start3A_83 : memref<10080xi32, #tpu.memory_space<hbm>>) target(%arg8 : memref<10080xi32, #tpu.memory_space<vmem>>) target_semaphore(%run_scoped3A_81 : memref<!tpu.dma_semaphore, #tpu.memory_space<semaphore_mem>>)
      %dma_wait3A = tpu.memref_slice %arg3[%mul3A_58] : memref<322560xi32, #tpu.memory_space<hbm>> -> memref<10080xi32, #tpu.memory_space<hbm>>
      %dma_wait3A_84 = tpu.memref_slice %arg3[%mul3A_58] : memref<322560xi32, #tpu.memory_space<hbm>> -> memref<10080xi32, #tpu.memory_space<hbm>>
      tpu.wait_dma2 semaphore(%run_scoped3A_81 : memref<!tpu.dma_semaphore, #tpu.memory_space<semaphore_mem>>) src(%dma_wait3A_84 : memref<10080xi32, #tpu.memory_space<hbm>>) dst(%arg8 : memref<10080xi32, #tpu.memory_space<vmem>>)
      tpu.yield
    }) : () -> ()
    %barrier3A = arith.constant 0 : index
    tpu.barrier barrier_id(%barrier3A)
    %dma_start3A = arith.constant 0 : i32
    %dma_start3A_59 = arith.constant 0 : i32
    %dma_start3A_60 = arith.constant 0 : i32
    %dma_start3A_61 = arith.constant 0 : i32
    %dma_start3A_62 = tpu.memref_slice %arg9[%dma_start3A, %dma_start3A_60, %dma_start3A_61] : memref<2x80x128xf32, #tpu.memory_space<vmem>> -> memref<1x80x128xf32, #tpu.memory_space<vmem>>
    %dma_start3A_63 = tpu.memref_squeeze %dma_start3A_62 : memref<1x80x128xf32, #tpu.memory_space<vmem>> -> memref<80x128xf32, #tpu.memory_space<vmem>>
    %dma_start3A_64 = arith.constant 0 : i32
    %dma_start3A_65 = tpu.memref_slice %arg8[%dma_start3A_64] : memref<10080xi32, #tpu.memory_space<vmem>> -> memref<80xi32, #tpu.memory_space<vmem>>
    %dma_start3A_66 = arith.constant 0 : i32
    %dma_start3A_67 = arith.constant 0 : i32
    %dma_start3A_68 = tpu.memref_slice %arg2[%dma_start3A_66, %dma_start3A_67] : memref<10000x128xf32, #tpu.memory_space<hbm>> -> memref<10000x128xf32, #tpu.memory_space<hbm>>
    %dma_start3A_69 = tpu.memref_slice %arg13[%dma_start3A_59] : memref<2x!tpu.dma_semaphore, #tpu.memory_space<semaphore_mem>> -> memref<1x!tpu.dma_semaphore, #tpu.memory_space<semaphore_mem>>
    %dma_start3A_70 = tpu.memref_squeeze %dma_start3A_69 : memref<1x!tpu.dma_semaphore, #tpu.memory_space<semaphore_mem>> -> memref<!tpu.dma_semaphore, #tpu.memory_space<semaphore_mem>>
    tpu.enqueue_indirect_dma source(%dma_start3A_68 : memref<10000x128xf32, #tpu.memory_space<hbm>>) target(%dma_start3A_63 : memref<80x128xf32, #tpu.memory_space<vmem>>) offsets(%dma_start3A_65 : memref<80xi32, #tpu.memory_space<vmem>>) semaphore(%dma_start3A_70 : memref<!tpu.dma_semaphore, #tpu.memory_space<semaphore_mem>>)
    %scan3A_71 = arith.constant 0 : i32
    %scan3A_72 = arith.constant 0 : i32
    %scan3A_73 = arith.constant 63 : i32
    %scan3A_74 = arith.addi %scan3A_72, %scan3A_73 : i32
    %scan3A_75 = arith.constant 1 : i32
    scf.for %scan3A_81 = %scan3A_72 to %scan3A_74 step %scan3A_75  : i32 {
      %mul3A_82 = arith.constant 2 : i32
      %mul3A_83 = arith.muli %scan3A_81, %mul3A_82 : i32
      %add3A_84 = arith.constant 0 : i32
      %add3A_85 = arith.addi %mul3A_83, %add3A_84 : i32
      %dma_wait3A = arith.constant 0 : i32
      %dma_wait3A_86 = arith.constant 0 : i32
      %dma_wait3A_87 = arith.constant 0 : i32
      %dma_wait3A_88 = arith.constant 0 : i32
      %dma_wait3A_89 = tpu.memref_slice %arg9[%dma_wait3A, %dma_wait3A_87, %dma_wait3A_88] : memref<2x80x128xf32, #tpu.memory_space<vmem>> -> memref<1x80x128xf32, #tpu.memory_space<vmem>>
      %dma_wait3A_90 = tpu.memref_squeeze %dma_wait3A_89 : memref<1x80x128xf32, #tpu.memory_space<vmem>> -> memref<80x128xf32, #tpu.memory_space<vmem>>
      %dma_wait3A_91 = arith.constant 0 : i32
      %dma_wait3A_92 = tpu.memref_slice %arg8[%dma_wait3A_91] : memref<10080xi32, #tpu.memory_space<vmem>> -> memref<80xi32, #tpu.memory_space<vmem>>
      %dma_wait3A_93 = arith.constant 0 : i32
      %dma_wait3A_94 = arith.constant 0 : i32
      %dma_wait3A_95 = tpu.memref_slice %arg2[%dma_wait3A_93, %dma_wait3A_94] : memref<10000x128xf32, #tpu.memory_space<hbm>> -> memref<10000x128xf32, #tpu.memory_space<hbm>>
      %dma_wait3A_96 = tpu.memref_slice %arg13[%dma_wait3A_86] : memref<2x!tpu.dma_semaphore, #tpu.memory_space<semaphore_mem>> -> memref<1x!tpu.dma_semaphore, #tpu.memory_space<semaphore_mem>>
      %dma_wait3A_97 = tpu.memref_squeeze %dma_wait3A_96 : memref<1x!tpu.dma_semaphore, #tpu.memory_space<semaphore_mem>> -> memref<!tpu.dma_semaphore, #tpu.memory_space<semaphore_mem>>
      tpu.wait_indirect_dma semaphore(%dma_wait3A_97 : memref<!tpu.dma_semaphore, #tpu.memory_space<semaphore_mem>>) src(%dma_wait3A_95 : memref<10000x128xf32, #tpu.memory_space<hbm>>) dst(%dma_wait3A_90 : memref<80x128xf32, #tpu.memory_space<vmem>>)
      %add3A_98 = arith.constant 1 : i32
      %add3A_99 = arith.addi %add3A_85, %add3A_98 : i32
      %lt3A = arith.constant 126 : i32
      %lt3A_100 = arith.cmpi slt, %add3A_99, %lt3A : i32
      %convert_element_type3A = arith.extui %lt3A_100 : i1 to i32
      %cond3A = arith.constant 0 : i32
      %cond3A_101 = arith.cmpi ne, %convert_element_type3A, %cond3A : i32
      scf.if %cond3A_101 {
        %add3A_128 = arith.constant 1 : i32
        %add3A_129 = arith.addi %add3A_85, %add3A_128 : i32
        %mul3A_130 = arith.constant 80 : i32
        %mul3A_131 = arith.muli %add3A_129, %mul3A_130 : i32
        %dma_start3A_132 = arith.constant 1 : i32
        %dma_start3A_133 = arith.constant 1 : i32
        %dma_start3A_134 = arith.constant 0 : i32
        %dma_start3A_135 = arith.constant 0 : i32
        %dma_start3A_136 = tpu.memref_slice %arg9[%dma_start3A_132, %dma_start3A_134, %dma_start3A_135] : memref<2x80x128xf32, #tpu.memory_space<vmem>> -> memref<1x80x128xf32, #tpu.memory_space<vmem>>
        %dma_start3A_137 = tpu.memref_squeeze %dma_start3A_136 : memref<1x80x128xf32, #tpu.memory_space<vmem>> -> memref<80x128xf32, #tpu.memory_space<vmem>>
        %dma_start3A_138 = tpu.memref_slice %arg8[%mul3A_131] : memref<10080xi32, #tpu.memory_space<vmem>> -> memref<80xi32, #tpu.memory_space<vmem>>
        %dma_start3A_139 = arith.constant 0 : i32
        %dma_start3A_140 = arith.constant 0 : i32
        %dma_start3A_141 = tpu.memref_slice %arg2[%dma_start3A_139, %dma_start3A_140] : memref<10000x128xf32, #tpu.memory_space<hbm>> -> memref<10000x128xf32, #tpu.memory_space<hbm>>
        %dma_start3A_142 = tpu.memref_slice %arg13[%dma_start3A_133] : memref<2x!tpu.dma_semaphore, #tpu.memory_space<semaphore_mem>> -> memref<1x!tpu.dma_semaphore, #tpu.memory_space<semaphore_mem>>
        %dma_start3A_143 = tpu.memref_squeeze %dma_start3A_142 : memref<1x!tpu.dma_semaphore, #tpu.memory_space<semaphore_mem>> -> memref<!tpu.dma_semaphore, #tpu.memory_space<semaphore_mem>>
        tpu.enqueue_indirect_dma source(%dma_start3A_141 : memref<10000x128xf32, #tpu.memory_space<hbm>>) target(%dma_start3A_137 : memref<80x128xf32, #tpu.memory_space<vmem>>) offsets(%dma_start3A_138 : memref<80xi32, #tpu.memory_space<vmem>>) semaphore(%dma_start3A_143 : memref<!tpu.dma_semaphore, #tpu.memory_space<semaphore_mem>>)
      } else {
      }
      %run_scoped3A_102 = arith.constant 0 : i32
      "tpu.region"() ({
        %run_scoped3A_128 = tpu.sem_alloc : memref<!tpu.dma_semaphore, #tpu.memory_space<semaphore_mem>>
        %dma_start3A_129 = arith.constant 0 : i32
        %dma_start3A_130 = arith.constant 0 : i32
        %dma_start3A_131 = tpu.memref_slice %arg9[%run_scoped3A_102, %dma_start3A_129, %dma_start3A_130] : memref<2x80x128xf32, #tpu.memory_space<vmem>> -> memref<1x80x128xf32, #tpu.memory_space<vmem>>
        %dma_start3A_132 = tpu.memref_squeeze %dma_start3A_131 : memref<1x80x128xf32, #tpu.memory_space<vmem>> -> memref<80x128xf32, #tpu.memory_space<vmem>>
        %dma_start3A_133 = arith.constant 0 : i32
        %dma_start3A_134 = tpu.memref_slice %arg7[%add3A_85, %dma_start3A_133] : memref<126x80xi32, #tpu.memory_space<vmem>> -> memref<1x80xi32, #tpu.memory_space<vmem>>
        %dma_start3A_135 = tpu.memref_squeeze %dma_start3A_134 : memref<1x80xi32, #tpu.memory_space<vmem>> -> memref<80xi32, #tpu.memory_space<vmem>>
        %dma_start3A_136 = arith.constant 0 : i32
        %dma_start3A_137 = arith.constant 0 : i32
        %dma_start3A_138 = tpu.memref_slice %arg11[%dma_start3A_136, %dma_start3A_137] : memref<10240x128xf32, #tpu.memory_space<vmem_shared>> -> memref<10240x128xf32, #tpu.memory_space<vmem_shared>>
        tpu.enqueue_indirect_dma source(%dma_start3A_132 : memref<80x128xf32, #tpu.memory_space<vmem>>) target(%dma_start3A_138 : memref<10240x128xf32, #tpu.memory_space<vmem_shared>>) offsets(%dma_start3A_135 : memref<80xi32, #tpu.memory_space<vmem>>) semaphore(%run_scoped3A_128 : memref<!tpu.dma_semaphore, #tpu.memory_space<semaphore_mem>>) {add = true}
        %dma_wait3A_139 = arith.constant 0 : i32
        %dma_wait3A_140 = arith.constant 0 : i32
        %dma_wait3A_141 = tpu.memref_slice %arg9[%run_scoped3A_102, %dma_wait3A_139, %dma_wait3A_140] : memref<2x80x128xf32, #tpu.memory_space<vmem>> -> memref<1x80x128xf32, #tpu.memory_space<vmem>>
        %dma_wait3A_142 = tpu.memref_squeeze %dma_wait3A_141 : memref<1x80x128xf32, #tpu.memory_space<vmem>> -> memref<80x128xf32, #tpu.memory_space<vmem>>
        %dma_wait3A_143 = arith.constant 0 : i32
        %dma_wait3A_144 = tpu.memref_slice %arg7[%add3A_85, %dma_wait3A_143] : memref<126x80xi32, #tpu.memory_space<vmem>> -> memref<1x80xi32, #tpu.memory_space<vmem>>
        %dma_wait3A_145 = tpu.memref_squeeze %dma_wait3A_144 : memref<1x80xi32, #tpu.memory_space<vmem>> -> memref<80xi32, #tpu.memory_space<vmem>>
        %dma_wait3A_146 = arith.constant 0 : i32
        %dma_wait3A_147 = arith.constant 0 : i32
        %dma_wait3A_148 = tpu.memref_slice %arg11[%dma_wait3A_146, %dma_wait3A_147] : memref<10240x128xf32, #tpu.memory_space<vmem_shared>> -> memref<10240x128xf32, #tpu.memory_space<vmem_shared>>
        tpu.wait_indirect_dma semaphore(%run_scoped3A_128 : memref<!tpu.dma_semaphore, #tpu.memory_space<semaphore_mem>>) src(%dma_wait3A_142 : memref<80x128xf32, #tpu.memory_space<vmem>>) dst(%dma_wait3A_148 : memref<10240x128xf32, #tpu.memory_space<vmem_shared>>)
        tpu.yield
      }) : () -> ()
      "tpu.region"() ({
        %run_scoped3A_128 = tpu.sem_alloc : memref<!tpu.dma_semaphore, #tpu.memory_space<semaphore_mem>>
        %dma_start3A_129 = arith.constant 0 : i32
        %dma_start3A_130 = tpu.memref_slice %arg7[%add3A_85, %dma_start3A_129] : memref<126x80xi32, #tpu.memory_space<vmem>> -> memref<1x80xi32, #tpu.memory_space<vmem>>
        %dma_start3A_131 = tpu.memref_squeeze %dma_start3A_130 : memref<1x80xi32, #tpu.memory_space<vmem>> -> memref<80xi32, #tpu.memory_space<vmem>>
        %dma_start3A_132 = arith.constant 0 : i32
        %dma_start3A_133 = tpu.memref_slice %arg12[%dma_start3A_132] : memref<10240xf32, #tpu.memory_space<vmem_shared>> -> memref<10240xf32, #tpu.memory_space<vmem_shared>>
        tpu.enqueue_indirect_dma source(%arg10 : memref<80xf32, #tpu.memory_space<vmem>>) target(%dma_start3A_133 : memref<10240xf32, #tpu.memory_space<vmem_shared>>) offsets(%dma_start3A_131 : memref<80xi32, #tpu.memory_space<vmem>>) semaphore(%run_scoped3A_128 : memref<!tpu.dma_semaphore, #tpu.memory_space<semaphore_mem>>) {add = true}
        %dma_wait3A_134 = arith.constant 0 : i32
        %dma_wait3A_135 = tpu.memref_slice %arg7[%add3A_85, %dma_wait3A_134] : memref<126x80xi32, #tpu.memory_space<vmem>> -> memref<1x80xi32, #tpu.memory_space<vmem>>
        %dma_wait3A_136 = tpu.memref_squeeze %dma_wait3A_135 : memref<1x80xi32, #tpu.memory_space<vmem>> -> memref<80xi32, #tpu.memory_space<vmem>>
        %dma_wait3A_137 = arith.constant 0 : i32
        %dma_wait3A_138 = tpu.memref_slice %arg12[%dma_wait3A_137] : memref<10240xf32, #tpu.memory_space<vmem_shared>> -> memref<10240xf32, #tpu.memory_space<vmem_shared>>
        tpu.wait_indirect_dma semaphore(%run_scoped3A_128 : memref<!tpu.dma_semaphore, #tpu.memory_space<semaphore_mem>>) src(%arg10 : memref<80xf32, #tpu.memory_space<vmem>>) dst(%dma_wait3A_138 : memref<10240xf32, #tpu.memory_space<vmem_shared>>)
        tpu.yield
      }) : () -> ()
      %mul3A_103 = arith.constant 2 : i32
      %mul3A_104 = arith.muli %scan3A_81, %mul3A_103 : i32
      %add3A_105 = arith.constant 1 : i32
      %add3A_106 = arith.addi %mul3A_104, %add3A_105 : i32
      %dma_wait3A_107 = arith.constant 1 : i32
      %dma_wait3A_108 = arith.constant 1 : i32
      %dma_wait3A_109 = arith.constant 0 : i32
      %dma_wait3A_110 = arith.constant 0 : i32
      %dma_wait3A_111 = tpu.memref_slice %arg9[%dma_wait3A_107, %dma_wait3A_109, %dma_wait3A_110] : memref<2x80x128xf32, #tpu.memory_space<vmem>> -> memref<1x80x128xf32, #tpu.memory_space<vmem>>
      %dma_wait3A_112 = tpu.memref_squeeze %dma_wait3A_111 : memref<1x80x128xf32, #tpu.memory_space<vmem>> -> memref<80x128xf32, #tpu.memory_space<vmem>>
      %dma_wait3A_113 = arith.constant 0 : i32
      %dma_wait3A_114 = tpu.memref_slice %arg8[%dma_wait3A_113] : memref<10080xi32, #tpu.memory_space<vmem>> -> memref<80xi32, #tpu.memory_space<vmem>>
      %dma_wait3A_115 = arith.constant 0 : i32
      %dma_wait3A_116 = arith.constant 0 : i32
      %dma_wait3A_117 = tpu.memref_slice %arg2[%dma_wait3A_115, %dma_wait3A_116] : memref<10000x128xf32, #tpu.memory_space<hbm>> -> memref<10000x128xf32, #tpu.memory_space<hbm>>
      %dma_wait3A_118 = tpu.memref_slice %arg13[%dma_wait3A_108] : memref<2x!tpu.dma_semaphore, #tpu.memory_space<semaphore_mem>> -> memref<1x!tpu.dma_semaphore, #tpu.memory_space<semaphore_mem>>
      %dma_wait3A_119 = tpu.memref_squeeze %dma_wait3A_118 : memref<1x!tpu.dma_semaphore, #tpu.memory_space<semaphore_mem>> -> memref<!tpu.dma_semaphore, #tpu.memory_space<semaphore_mem>>
      tpu.wait_indirect_dma semaphore(%dma_wait3A_119 : memref<!tpu.dma_semaphore, #tpu.memory_space<semaphore_mem>>) src(%dma_wait3A_117 : memref<10000x128xf32, #tpu.memory_space<hbm>>) dst(%dma_wait3A_112 : memref<80x128xf32, #tpu.memory_space<vmem>>)
      %add3A_120 = arith.constant 1 : i32
      %add3A_121 = arith.addi %add3A_106, %add3A_120 : i32
      %lt3A_122 = arith.constant 126 : i32
      %lt3A_123 = arith.cmpi slt, %add3A_121, %lt3A_122 : i32
      %convert_element_type3A_124 = arith.extui %lt3A_123 : i1 to i32
      %cond3A_125 = arith.constant 0 : i32
      %cond3A_126 = arith.cmpi ne, %convert_element_type3A_124, %cond3A_125 : i32
      scf.if %cond3A_126 {
        %add3A_128 = arith.constant 1 : i32
        %add3A_129 = arith.addi %add3A_106, %add3A_128 : i32
        %mul3A_130 = arith.constant 80 : i32
        %mul3A_131 = arith.muli %add3A_129, %mul3A_130 : i32
        %dma_start3A_132 = arith.constant 0 : i32
        %dma_start3A_133 = arith.constant 0 : i32
        %dma_start3A_134 = arith.constant 0 : i32
        %dma_start3A_135 = arith.constant 0 : i32
        %dma_start3A_136 = tpu.memref_slice %arg9[%dma_start3A_132, %dma_start3A_134, %dma_start3A_135] : memref<2x80x128xf32, #tpu.memory_space<vmem>> -> memref<1x80x128xf32, #tpu.memory_space<vmem>>
        %dma_start3A_137 = tpu.memref_squeeze %dma_start3A_136 : memref<1x80x128xf32, #tpu.memory_space<vmem>> -> memref<80x128xf32, #tpu.memory_space<vmem>>
        %dma_start3A_138 = tpu.memref_slice %arg8[%mul3A_131] : memref<10080xi32, #tpu.memory_space<vmem>> -> memref<80xi32, #tpu.memory_space<vmem>>
        %dma_start3A_139 = arith.constant 0 : i32
        %dma_start3A_140 = arith.constant 0 : i32
        %dma_start3A_141 = tpu.memref_slice %arg2[%dma_start3A_139, %dma_start3A_140] : memref<10000x128xf32, #tpu.memory_space<hbm>> -> memref<10000x128xf32, #tpu.memory_space<hbm>>
        %dma_start3A_142 = tpu.memref_slice %arg13[%dma_start3A_133] : memref<2x!tpu.dma_semaphore, #tpu.memory_space<semaphore_mem>> -> memref<1x!tpu.dma_semaphore, #tpu.memory_space<semaphore_mem>>
        %dma_start3A_143 = tpu.memref_squeeze %dma_start3A_142 : memref<1x!tpu.dma_semaphore, #tpu.memory_space<semaphore_mem>> -> memref<!tpu.dma_semaphore, #tpu.memory_space<semaphore_mem>>
        tpu.enqueue_indirect_dma source(%dma_start3A_141 : memref<10000x128xf32, #tpu.memory_space<hbm>>) target(%dma_start3A_137 : memref<80x128xf32, #tpu.memory_space<vmem>>) offsets(%dma_start3A_138 : memref<80xi32, #tpu.memory_space<vmem>>) semaphore(%dma_start3A_143 : memref<!tpu.dma_semaphore, #tpu.memory_space<semaphore_mem>>)
      } else {
      }
      %run_scoped3A_127 = arith.constant 1 : i32
      "tpu.region"() ({
        %run_scoped3A_128 = tpu.sem_alloc : memref<!tpu.dma_semaphore, #tpu.memory_space<semaphore_mem>>
        %dma_start3A_129 = arith.constant 0 : i32
        %dma_start3A_130 = arith.constant 0 : i32
        %dma_start3A_131 = tpu.memref_slice %arg9[%run_scoped3A_127, %dma_start3A_129, %dma_start3A_130] : memref<2x80x128xf32, #tpu.memory_space<vmem>> -> memref<1x80x128xf32, #tpu.memory_space<vmem>>
        %dma_start3A_132 = tpu.memref_squeeze %dma_start3A_131 : memref<1x80x128xf32, #tpu.memory_space<vmem>> -> memref<80x128xf32, #tpu.memory_space<vmem>>
        %dma_start3A_133 = arith.constant 0 : i32
        %dma_start3A_134 = tpu.memref_slice %arg7[%add3A_106, %dma_start3A_133] : memref<126x80xi32, #tpu.memory_space<vmem>> -> memref<1x80xi32, #tpu.memory_space<vmem>>
        %dma_start3A_135 = tpu.memref_squeeze %dma_start3A_134 : memref<1x80xi32, #tpu.memory_space<vmem>> -> memref<80xi32, #tpu.memory_space<vmem>>
        %dma_start3A_136 = arith.constant 0 : i32
        %dma_start3A_137 = arith.constant 0 : i32
        %dma_start3A_138 = tpu.memref_slice %arg11[%dma_start3A_136, %dma_start3A_137] : memref<10240x128xf32, #tpu.memory_space<vmem_shared>> -> memref<10240x128xf32, #tpu.memory_space<vmem_shared>>
        tpu.enqueue_indirect_dma source(%dma_start3A_132 : memref<80x128xf32, #tpu.memory_space<vmem>>) target(%dma_start3A_138 : memref<10240x128xf32, #tpu.memory_space<vmem_shared>>) offsets(%dma_start3A_135 : memref<80xi32, #tpu.memory_space<vmem>>) semaphore(%run_scoped3A_128 : memref<!tpu.dma_semaphore, #tpu.memory_space<semaphore_mem>>) {add = true}
        %dma_wait3A_139 = arith.constant 0 : i32
        %dma_wait3A_140 = arith.constant 0 : i32
        %dma_wait3A_141 = tpu.memref_slice %arg9[%run_scoped3A_127, %dma_wait3A_139, %dma_wait3A_140] : memref<2x80x128xf32, #tpu.memory_space<vmem>> -> memref<1x80x128xf32, #tpu.memory_space<vmem>>
        %dma_wait3A_142 = tpu.memref_squeeze %dma_wait3A_141 : memref<1x80x128xf32, #tpu.memory_space<vmem>> -> memref<80x128xf32, #tpu.memory_space<vmem>>
        %dma_wait3A_143 = arith.constant 0 : i32
        %dma_wait3A_144 = tpu.memref_slice %arg7[%add3A_106, %dma_wait3A_143] : memref<126x80xi32, #tpu.memory_space<vmem>> -> memref<1x80xi32, #tpu.memory_space<vmem>>
        %dma_wait3A_145 = tpu.memref_squeeze %dma_wait3A_144 : memref<1x80xi32, #tpu.memory_space<vmem>> -> memref<80xi32, #tpu.memory_space<vmem>>
        %dma_wait3A_146 = arith.constant 0 : i32
        %dma_wait3A_147 = arith.constant 0 : i32
        %dma_wait3A_148 = tpu.memref_slice %arg11[%dma_wait3A_146, %dma_wait3A_147] : memref<10240x128xf32, #tpu.memory_space<vmem_shared>> -> memref<10240x128xf32, #tpu.memory_space<vmem_shared>>
        tpu.wait_indirect_dma semaphore(%run_scoped3A_128 : memref<!tpu.dma_semaphore, #tpu.memory_space<semaphore_mem>>) src(%dma_wait3A_142 : memref<80x128xf32, #tpu.memory_space<vmem>>) dst(%dma_wait3A_148 : memref<10240x128xf32, #tpu.memory_space<vmem_shared>>)
        tpu.yield
      }) : () -> ()
      "tpu.region"() ({
        %run_scoped3A_128 = tpu.sem_alloc : memref<!tpu.dma_semaphore, #tpu.memory_space<semaphore_mem>>
        %dma_start3A_129 = arith.constant 0 : i32
        %dma_start3A_130 = tpu.memref_slice %arg7[%add3A_106, %dma_start3A_129] : memref<126x80xi32, #tpu.memory_space<vmem>> -> memref<1x80xi32, #tpu.memory_space<vmem>>
        %dma_start3A_131 = tpu.memref_squeeze %dma_start3A_130 : memref<1x80xi32, #tpu.memory_space<vmem>> -> memref<80xi32, #tpu.memory_space<vmem>>
        %dma_start3A_132 = arith.constant 0 : i32
        %dma_start3A_133 = tpu.memref_slice %arg12[%dma_start3A_132] : memref<10240xf32, #tpu.memory_space<vmem_shared>> -> memref<10240xf32, #tpu.memory_space<vmem_shared>>
        tpu.enqueue_indirect_dma source(%arg10 : memref<80xf32, #tpu.memory_space<vmem>>) target(%dma_start3A_133 : memref<10240xf32, #tpu.memory_space<vmem_shared>>) offsets(%dma_start3A_131 : memref<80xi32, #tpu.memory_space<vmem>>) semaphore(%run_scoped3A_128 : memref<!tpu.dma_semaphore, #tpu.memory_space<semaphore_mem>>) {add = true}
        %dma_wait3A_134 = arith.constant 0 : i32
        %dma_wait3A_135 = tpu.memref_slice %arg7[%add3A_106, %dma_wait3A_134] : memref<126x80xi32, #tpu.memory_space<vmem>> -> memref<1x80xi32, #tpu.memory_space<vmem>>
        %dma_wait3A_136 = tpu.memref_squeeze %dma_wait3A_135 : memref<1x80xi32, #tpu.memory_space<vmem>> -> memref<80xi32, #tpu.memory_space<vmem>>
        %dma_wait3A_137 = arith.constant 0 : i32
        %dma_wait3A_138 = tpu.memref_slice %arg12[%dma_wait3A_137] : memref<10240xf32, #tpu.memory_space<vmem_shared>> -> memref<10240xf32, #tpu.memory_space<vmem_shared>>
        tpu.wait_indirect_dma semaphore(%run_scoped3A_128 : memref<!tpu.dma_semaphore, #tpu.memory_space<semaphore_mem>>) src(%arg10 : memref<80xf32, #tpu.memory_space<vmem>>) dst(%dma_wait3A_138 : memref<10240xf32, #tpu.memory_space<vmem_shared>>)
        tpu.yield
      }) : () -> ()
    }
    %scan3A_76 = arith.constant 63 : i32
    %barrier3A_77 = arith.constant 0 : index
    tpu.barrier barrier_id(%barrier3A_77)
    "tpu.region"() ({
      %run_scoped3A_81 = tpu.sem_alloc : memref<!tpu.dma_semaphore, #tpu.memory_space<semaphore_mem>>
      %dma_start3A_82 = arith.constant 0 : i32
      %dma_start3A_83 = tpu.memref_slice %arg5[%arg0, %mul3A_13, %dma_start3A_82] : memref<2x10240x128xf32, #tpu.memory_space<hbm>> -> memref<1x640x128xf32, #tpu.memory_space<hbm>>
      %dma_start3A_84 = tpu.memref_squeeze %dma_start3A_83 : memref<1x640x128xf32, #tpu.memory_space<hbm>> -> memref<640x128xf32, #tpu.memory_space<hbm>>
      %dma_start3A_85 = arith.constant 0 : i32
      %dma_start3A_86 = tpu.memref_slice %arg11[%mul3A_13, %dma_start3A_85] : memref<10240x128xf32, #tpu.memory_space<vmem_shared>> -> memref<640x128xf32, #tpu.memory_space<vmem_shared>>
      tpu.enqueue_dma source(%dma_start3A_86 : memref<640x128xf32, #tpu.memory_space<vmem_shared>>) target(%dma_start3A_84 : memref<640x128xf32, #tpu.memory_space<hbm>>) target_semaphore(%run_scoped3A_81 : memref<!tpu.dma_semaphore, #tpu.memory_space<semaphore_mem>>)
      %dma_wait3A = arith.constant 0 : i32
      %dma_wait3A_87 = tpu.memref_slice %arg5[%arg0, %mul3A_13, %dma_wait3A] : memref<2x10240x128xf32, #tpu.memory_space<hbm>> -> memref<1x640x128xf32, #tpu.memory_space<hbm>>
      %dma_wait3A_88 = tpu.memref_squeeze %dma_wait3A_87 : memref<1x640x128xf32, #tpu.memory_space<hbm>> -> memref<640x128xf32, #tpu.memory_space<hbm>>
      %dma_wait3A_89 = arith.constant 0 : i32
      %dma_wait3A_90 = tpu.memref_slice %arg11[%mul3A_13, %dma_wait3A_89] : memref<10240x128xf32, #tpu.memory_space<vmem_shared>> -> memref<640x128xf32, #tpu.memory_space<vmem_shared>>
      tpu.wait_dma2 semaphore(%run_scoped3A_81 : memref<!tpu.dma_semaphore, #tpu.memory_space<semaphore_mem>>) src(%dma_wait3A_90 : memref<640x128xf32, #tpu.memory_space<vmem_shared>>) dst(%dma_wait3A_88 : memref<640x128xf32, #tpu.memory_space<hbm>>)
      tpu.yield
    }) : () -> ()
    %mul3A_78 = arith.constant 10240 : i32
    %mul3A_79 = arith.muli %arg0, %mul3A_78 : i32
    %add3A_80 = arith.addi %mul3A_79, %mul3A_13 : i32
    "tpu.region"() ({
      %run_scoped3A_81 = tpu.sem_alloc : memref<!tpu.dma_semaphore, #tpu.memory_space<semaphore_mem>>
      %dma_start3A_82 = tpu.memref_slice %arg6[%add3A_80] : memref<20480xf32, #tpu.memory_space<hbm>> -> memref<640xf32, #tpu.memory_space<hbm>>
      %dma_start3A_83 = tpu.memref_slice %arg12[%mul3A_13] : memref<10240xf32, #tpu.memory_space<vmem_shared>> -> memref<640xf32, #tpu.memory_space<vmem_shared>>
      tpu.enqueue_dma source(%dma_start3A_83 : memref<640xf32, #tpu.memory_space<vmem_shared>>) target(%dma_start3A_82 : memref<640xf32, #tpu.memory_space<hbm>>) target_semaphore(%run_scoped3A_81 : memref<!tpu.dma_semaphore, #tpu.memory_space<semaphore_mem>>)
      %dma_wait3A = tpu.memref_slice %arg6[%add3A_80] : memref<20480xf32, #tpu.memory_space<hbm>> -> memref<640xf32, #tpu.memory_space<hbm>>
      %dma_wait3A_84 = tpu.memref_slice %arg12[%mul3A_13] : memref<10240xf32, #tpu.memory_space<vmem_shared>> -> memref<640xf32, #tpu.memory_space<vmem_shared>>
      tpu.wait_dma2 semaphore(%run_scoped3A_81 : memref<!tpu.dma_semaphore, #tpu.memory_space<semaphore_mem>>) src(%dma_wait3A_84 : memref<640xf32, #tpu.memory_space<vmem_shared>>) dst(%dma_wait3A : memref<640xf32, #tpu.memory_space<hbm>>)
      tpu.yield
    }) : () -> ()
    return
  }
}

</mosaic_0001>

<sc_bundles>
// kernel: _sc_aggregate.3.cloned.1.call-start
scs
__scs_entry_jumppad:
0x0: {  	(pc) =	sbr.rel $0x88, $3  }
0x1: {  	(tag) =	ssettag $0x0;
	lr =	simm.s32 $0x1  }
0x2: {  	[smem:$0x3F9E] =	sst lr;
	_ =	strace $0xD0000000  }
0x3: {  	_ = 	snop  }
0x4: {  	_ = 	snop  }
0x5: {  	_ = 	snop  }
0x6: {  	_ = 	snop  }
0x7: {  	_ = 	snop  }
__scs_overlays_trampoline_lowered:
0x8: {  	[smem:$0x3FAD] =	sst s0  }
0x9: {  	[smem:$0x3FAE] =	sst s1  }
0xa: {  	[smem:$0x3FAF] =	sst s2  }
0xb: {  	[smem:$0x3FB0] =	sst s3  }
0xc: {  	[smem:$0x3FB1] =	sst s4  }
0xd: {  	[smem:$0x3FB2] =	sst s5  }
0xe: {  	[smem:$0x3FB3] =	sst s6  }
0xf: {  	[smem:$0x3FB4] =	sst s7  }
0x10: {  	[smem:$0x3FB5] =	sst s8  }
0x11: {  	[smem:$0x3FB6] =	sst s9;
	s0 =	simm.s32 @!p0 $0x0  }
0x12: {  	s1 =	sld [smem:$0x3F9C];
	s0 =	simm.s32 @p0 $0x1  }
0x13: {  	[smem:$0x3FB7] =	sst s0;
	s0 =	simm.s32 @!p1 $0x0  }
0x14: {  	s2 =	sld [smem:$0x3F9B];
	s0 =	simm.s32 @p1 $0x1  }
0x15: {  	[smem:$0x3FB8] =	sst s0;
	s0 =	simm.s32 @!p2 $0x0  }
0x16: {  	s3 =	sld [smem:$0x3FDB];
	s0 =	simm.s32 @p2 $0x1  }
0x17: {  	s4 =	simm.s32 $0x1BF5;
	[smem:$0x3FBA] =	sst s0  }
0x18: {  	s0 =	sld [smem:$0x3F9D];
	_ =	swait.ge [sflag:s4], $0x0  }
0x19: {  	s7 =	sld [smem:$0x3F9E]  }
0x1a: {  	s8 =	sadd.s32 $0xFFFFE003, lr  }
0x1b: {  	s9 =	sadd.s32 $0xFFFFFEF7, lr;
	s5 =	simm.s32 $0xFFFFFFFF;
	p2 =	slt.u32 s8, $0xFFFFF086  }
0x1c: {  	p1 =	slt.u32 s9, $0xF7A;
	s5 =	simm.s32 @!p2 $0x0  }
0x1d: {  	s5 =	simm.s32 @p1 $0x1;
	p0 =	seq.s32 s7, s2  }
0x1e: {  	s7 =	smul.u32 @!p0 $0xF7A, s2;
	p2 =	seq.s32 @!p0 s5, $0x0  }
0x1f: {  	s9 =	smul.u32 $0xF7A, s1;
	s8 =	simm.s32 @!p0 $0x1BF5;
	p2 =	por !p2, p0  }
0x20: {  	[sflag:s8] =	ssyncset.s32 @!p0 $0xFFFFF086;
	s6 =	sadd.s32 @!p0 s3, s7;
	s7 =	simm.s32 @!p0 $0x108  }
0x21: {  	s3 =	sadd.s32 s3, s9;
	s6 =	sadd.s32 @!p0 $0x88, s6;
	s7 =	simm.s32 @p2 $0x1082  }
0x22: {  	[simem:s7], [sflag:s8] =	dma.local @!p0 [hbm:s6], $0xF7A  }
0x23: {  	s9 =	sor.u32 $0xD0000000, s2;
	s6 =	simm.s32 $0x108;
	_ =	swait.ge @!p0 [sflag:s8], $0x0  }
0x24: {  	s3 =	sadd.s32 $0x88, s3;
	s6 =	simm.s32 @!p1 $0x1082;
	[sflag:s4] =	ssyncset.s32 $0xFFFFF086  }
0x25: {  	[simem:s6], [sflag:s4] =	dma.local [hbm:s3], $0xF7A  }
0x26: {  	[smem:$0x3F9E] =	sst s1;
	(tag) =	ssettag s2;
	_ =	strace s9  }
0x27: {  	s1 =	sld [smem:$0x3FAE]  }
0x28: {  	s2 =	sld [smem:$0x3FAF]  }
0x29: {  	s4 =	sld [smem:$0x3FB1]  }
0x2a: {  	p0 =	seq.s32 s5, $0x0;
	s5 =	sld [smem:$0x3FB2]  }
0x2b: {  	s6 =	sld [smem:$0x3FB3]  }
0x2c: {  	s7 =	sld [smem:$0x3FB4]  }
0x2d: {  	s3 =	simm.s32 $0x108;
	s8 =	sld [smem:$0x3FB5]  }
0x2e: {  	s3 =	simm.s32 @!p0 $0x1082;
	s9 =	sld [smem:$0x3FB6]  }
0x2f: {  	lr =	sadd.s32 s0, s3;
	s0 =	sld [smem:$0x3FAD]  }
0x30: {  	s3 =	sld [smem:$0x3FB0]  }
0x31: {  	[smem:$0x3FB9] =	sst s10  }
0x32: {  	s10 =	sld [smem:$0x3FB7];
	_ =	sdelay $0x3  }
0x33: {  	p0 =	seq.s32 s10, $0x1;
	s10 =	sld [smem:$0x3FB9];
	_ =	sdelay $0x3  }
0x34: {  	[smem:$0x3FB9] =	sst s10  }
0x35: {  	s10 =	sld [smem:$0x3FB8];
	_ =	sdelay $0x3  }
0x36: {  	p1 =	seq.s32 s10, $0x1;
	s10 =	sld [smem:$0x3FB9];
	_ =	sdelay $0x3  }
0x37: {  	[smem:$0x3FB9] =	sst s10  }
0x38: {  	s10 =	sld [smem:$0x3FBA]  }
0x39: {  	_ = 	snop;
	(pc) =	sbr.ind lr, $3  }
0x3a: {  	_ = 	snop  }
0x3b: {  	_ = 	snop  }
0x3c: {  	p2 =	seq.s32 s10, $0x1;
	s10 =	sld [smem:$0x3FB9]  }
0x3d: {  	_ =	shalt  }
0x3e: {  	_ =	shalt  }
0x3f: {  	_ =	shalt  }
0x40: {  	_ =	shalt  }
0x41: {  	_ =	shalt  }
0x42: {  	_ =	shalt  }
0x43: {  	_ =	shalt  }
0x44: {  	_ =	shalt  }
0x45: {  	_ =	shalt  }
0x46: {  	_ =	shalt  }
0x47: {  	_ =	shalt  }
0x48: {  	_ =	shalt  }
0x49: {  	_ =	shalt  }
0x4a: {  	_ =	shalt  }
0x4b: {  	_ =	shalt  }
0x4c: {  	_ =	shalt  }
0x4d: {  	_ =	shalt  }
0x4e: {  	_ =	shalt  }
0x4f: {  	_ =	shalt  }
0x50: {  	_ =	shalt  }
0x51: {  	_ =	shalt  }
0x52: {  	_ =	shalt  }
0x53: {  	_ =	shalt  }
0x54: {  	_ =	shalt  }
0x55: {  	_ =	shalt  }
0x56: {  	_ =	shalt  }
0x57: {  	_ =	shalt  }
0x58: {  	_ =	shalt  }
0x59: {  	_ =	shalt  }
0x5a: {  	_ =	shalt  }
0x5b: {  	_ =	shalt  }
0x5c: {  	_ =	shalt  }
0x5d: {  	_ =	shalt  }
0x5e: {  	_ =	shalt  }
0x5f: {  	_ =	shalt  }
0x60: {  	_ =	shalt  }
0x61: {  	_ =	shalt  }
0x62: {  	_ =	shalt  }
0x63: {  	_ =	shalt  }
0x64: {  	_ =	shalt  }
0x65: {  	_ =	shalt  }
0x66: {  	_ =	shalt  }
0x67: {  	_ =	shalt  }
0x68: {  	_ =	shalt  }
0x69: {  	_ =	shalt  }
0x6a: {  	_ =	shalt  }
0x6b: {  	_ =	shalt  }
0x6c: {  	_ =	shalt  }
0x6d: {  	_ =	shalt  }
0x6e: {  	_ =	shalt  }
0x6f: {  	_ =	shalt  }
0x70: {  	_ =	shalt  }
0x71: {  	_ =	shalt  }
0x72: {  	_ =	shalt  }
0x73: {  	_ =	shalt  }
0x74: {  	_ =	shalt  }
0x75: {  	_ =	shalt  }
0x76: {  	_ =	shalt  }
0x77: {  	_ =	shalt  }
0x78: {  	_ =	shalt  }
0x79: {  	_ =	shalt  }
0x7a: {  	_ =	shalt  }
0x7b: {  	_ =	shalt  }
0x7c: {  	_ =	shalt  }
0x7d: {  	_ =	shalt  }
0x7e: {  	_ =	shalt  }
0x7f: {  	_ =	shalt  }
0x80: {  	_ =	shalt  }
0x81: {  	_ =	shalt  }
0x82: {  	_ =	shalt  }
0x83: {  	_ =	shalt  }
0x84: {  	_ =	shalt  }
0x85: {  	_ =	shalt  }
0x86: {  	_ =	shalt  }
0x87: {  	_ =	shalt  }
.Lfunc_end0:
.L_simem_size_0:
called_computation_lowered:
.L_overlay_start_0:
0x88: {  	s2 =	sld [smem:$0x3FD9]  }
0x89: {  	s3 =	sld [smem:$0x3FFE];
	_ =	sdelay $0x1  }
0x8a: {  	s1 =	srdreg.scid  }
0x8b: {  	s0 =	sand.u32 $0x1, s1  }
0x8c: {  	s14 =	sshll.u32 s0, $0xA;
	s2 =	sadd.s32 s3, s2  }
0x8d: {  	s2 =	sadd.s32 s2, s14  }
0x8e: {  	[smem:$0x3FC5] =	sst s2  }
0x8f: {  	_ = 	snop  }
0x90: {  	s2 =	sld [smem:$0x3FD0];
	_ =	sdelay $0x1  }
0x91: {  	s15 =	sld [smem:$0x3FC9]  }
0x92: {  	s5 =	simm.s32 $0xA;
	s6 =	simm.s32 $0x10;
	s4 =	sld [smem:$0x3FC8]  }
0x93: {  	[smem:s6], [sflag:s5] =	dma.local [hbm:s2], $0x1  }
0x94: {  	_ =	swait.eq [sflag:s5], $0x1  }
0x95: {  	[sflag:s5] =	ssyncset.done $0x0  }
0x96: {  	s16 =	sld [smem:$0x10];
	[sflag:s5] =	ssyncadd.s32 $0xFFFFFFFF  }
0x97: {  	s17 =	sld [smem:$0x11];
	(tm) =	ssettm $0x1  }
0x98: {  	s18 =	sld [smem:$0x3FFB];
	_ =	sdelay $0x3  }
0x99: {  	_ =	strace s18  }
0x9a: {  	s6 =	sld [smem:$0x3FFC];
	_ =	sdelay $0x3  }
0x9b: {  	_ =	strace s6  }
0x9c: {  	s6 =	sld [smem:$0x3FFD];
	_ =	sdelay $0x3  }
0x9d: {  	_ =	strace s6  }
0x9e: {  	_ =	strace $0x8FFFFFFF  }
0x9f: {  	s19 =	sld [smem:$0x3FDB];
	_ =	sdelay $0x1  }
0xa0: {  	s7 =	simm.s32 $_scs_section_size  }
0xa1: {  	s8 =	simm.s32 $_size__tile_overlayer_lowered;
	s9 =	simm.s32 $_tile_overlayer_lowered  }
0xa2: {  	s22 =	simm.s32 $0x1BFF;
	s21 =	sshll.u32 s9, $0x1;
	s6 =	sadd.s32 s7, s19  }
0xa3: {  	s10 =	simm.s32 $0x0;
	s20 =	sshll.u32 s8, $0x1;
	s8 =	sadd.s32 s21, s6  }
0xa4: {  	[timem:s10], [sflag:s22] =	dma.local [hbm:s8], s20  }
0xa5: {  	_ =	swait.ge [sflag:s22], s20  }
0xa6: {  	s7 =	ssub.s32 $0x0, s20;
	[sflag:s22] =	ssyncset.done $0x0  }
0xa7: {  	[sflag:s22] =	ssyncadd.s32 s7;
	_ =	sdelay $0x1  }
0xa8: {  	s23 =	simm.s32 $0x1B8B  }
0xa9: {  	_ =	swait.ge [sflag:s23], $0x1  }
0xaa: {  	[sflag:s23] =	ssyncset.done $0x0  }
0xab: {  	s25 =	simm.s32 $0x1B8E;
	s24 =	sld [smem:$0x3FFE];
	[sflag:s23] =	ssyncadd.s32 $0xFFFFFFFF  }
0xac: {  	s26 =	simm.s32 $execute0_lowered;
	[smem:$0x3FD2] =	sst s25  }
0xad: {  	s8 =	sshll.u32 s26, $0x1;
	_ =	strace $0x80000046;
	[dreg:$0x1] =	wrdreg $0xFFFFFFFF  }
0xae: {  	s28 =	simm.s32 $_size_execute0_lowered;
	s6 =	sadd.s32 s6, s8;
	[dreg:$0x0] =	wrdreg $0x0  }
0xaf: {  	s8 =	sshll.u32 s28, $0x1;
	[dreg:$0x2] =	wrdreg s6  }
0xb0: {  	[dreg:$0x3] =	wrdreg s8  }
0xb1: {  	[dreg:$0x4] =	wrdreg $0xC0  }
0xb2: {  	_ =	task [dreg:s10], $0x5FFFF  }
0xb3: {  	[dreg:$0x1] =	wrdreg $0xFFFFFFFF  }
0xb4: {  	[dreg:$0x0] =	wrdreg $0x60  }
0xb5: {  	[dreg:$0x2] =	wrdreg s15  }
0xb6: {  	[dreg:$0x3] =	wrdreg s4  }
0xb7: {  	[dreg:$0x4] =	wrdreg s24  }
0xb8: {  	[dreg:$0x5] =	wrdreg s16  }
0xb9: {  	[dreg:$0x6] =	wrdreg s17  }
0xba: {  	[dreg:$0x7] =	wrdreg $0xB8000  }
0xbb: {  	[dreg:$0x8] =	wrdreg $0x1F8000  }
0xbc: {  	[dreg:$0x9] =	wrdreg $0x9  }
0xbd: {  	_ =	task.clear_ibuf [dreg:s10], $0xAFFFF;
	_ =	strace $0x90000046  }
0xbe: {  	s29 =	simm.s32 $0x9;
	_ =	strace $0x80000048  }
0xbf: {  	_ =	swait.ge [sflag:s29], $0x1  }
0xc0: {  	[sflag:s29] =	ssyncadd.s32 $0xFFFFFFFF  }
0xc1: {  	_ =	strace $0x90000048  }
0xc2: {  	_ =	sfence  }
0xc3: {  	s30 =	sld [smem:$0x0];
	_ =	sdelay $0x2  }
0xc4: {  	s31 =	sshll.u32 s1, $0xD;
	s1 =	sshrl.u32 s1, $0x2  }
0xc5: {  	s3 =	sand.u32 $0x4000, s31;
	s1 =	sadd.s32 s1, s30  }
0xc6: {  	s0 =	sor.u32 s3, s0;
	s1 =	sshll.u32 s1, $0x11  }
0xc7: {  	s0 =	sor.u32 s1, s0  }
0xc8: {  	s0 =	sadd.s32 $0x8F2B, s0  }
0xc9: {  	[sflag:s0] =	ssyncadd.remote.s32 $0x1  }
0xca: {  	_ =	sfence.sel $0xFFFF  }
0xcb: {  	[dreg:$0x0] =	wrdreg $0xFFFFFFFF;
	(pc) =	sbr.abs _section_cstart, $3  }
0xcc: {  	[dreg:$0x1] =	wrdreg $0xFFFFFFFF  }
0xcd: {  	_ =	task.clear_ibuf [dreg:s10], $0x2FFFF;
	_ =	strace $0x9FFFFFFF  }
0xce: {  	(tm) =	ssettm $0x7FFFFFFF  }
0xcf: {  	_ =	shalt  }
tec
execute0_lowered:
.L_overlay_start_1:
0x0: {  	(tag) =	ssettag $0x1  }
0x1: {  	s0 =	rddreg [dreg:$0x0]  }
0x2: {  	s1 =	rddreg [dreg:$0x1]  }
0x3: {  	s3 =	rddreg [dreg:$0x2]  }
0x4: {  	s7 =	rddreg [dreg:$0x3]  }
0x5: {  	s8 =	rddreg [dreg:$0x4]  }
0x6: {  	s2 =	rddreg [dreg:$0x5]  }
0x7: {  	s4 =	rddreg [dreg:$0x6]  }
0x8: {  	s6 =	srdreg.scid;
	s5 =	simm.s32 $0x0;
	s14 =	stileid.u32  }
0x9: {  	s31 =	simm.s32 $0x4000;
	s28 =	simm.s32 $0xB780;
	s29 =	simm.s32 $0x2  }
0xa: {  	s30 =	simm.s32 $0x3E00;
	s9 =	sand.u32 $0x1, s6;
	s10 =	smul.u32 $0x50000, s14  }
0xb: {  	[smem:$0x7FF] =	sst s5;
	s19 =	smul.u32 $0x280, s14;
	s6 =	sshll.u32 s9, $0x4  }
0xc: {  	_ =	strace $0x80000047;
	s12 =	ssub.s32 $0x2, s9;
	s18 =	smul.u32 $0x140000, s9  }
0xd: {  	s9 =	smul.u32 $0x2800, s9;
	s11 =	sor.u32 s14, s6;
	s13 =	sshrl.u32 s12, $0x1  }
0xe: {  	s10 =	sshrl.u32 s10, $0x2;
	s6 =	sshll.u32 s11, $0xB;
	s23 =	ssub.s32 s12, s13  }
0xf: {  	s16 =	smul.u32 $0x4EC, s11;
	s13 =	sadd.s32 s19, s4;
	s9 =	sadd.s32 s19, s9  }
0x10: {  	s3 =	sadd.s32 s6, s3;
	s6 =	sadd.s32 s10, s2;
	s15 =	sadd.s32 $0x80, s13  }
0x11: {  	s17 =	sadd.s32 $0x100, s13;
	s19 =	sadd.s32 $0x200, s13;
	s10 =	sadd.s32 $0x2800, s6  }
0x12: {  	s26 =	sshrl.u32 s9, $0x3;
	s20 =	sadd.s32 $0x5000, s6;
	[dreg:$0x8] =	wrdreg s10  }
0x13: {  	s23 =	smax.u32 s23, $0x1;
	s21 =	sadd.s32 $0x7800, s6;
	[dreg:$0x9] =	wrdreg s20  }
0x14: {  	s22 =	sadd.s32 $0xA000, s6;
	s24 =	sadd.s32 $0xC800, s6;
	[dreg:$0xa] =	wrdreg s21  }
0x15: {  	s12 =	sadd.s32 $0xF000, s6;
	s16 =	sadd.s32 s1, s16;
	[dreg:$0xb] =	wrdreg s22  }
0x16: {  	[dreg:$0xc] =	wrdreg s24;
	s20 =	smul.u32 $0x14000, s14;
	s14 =	sadd.s32 $0x11800, s6  }
0x17: {  	s22 =	sadd.s32 s8, s26;
	s24 =	simm.s32 $0x6780;
	s26 =	simm.s32 $0x8F80  }
0x18: {  	s25 =	sadd.s32 s20, s18;
	s18 =	sadd.s32 $0x180, s13;
	s20 =	sadd.s32 $0x600, s3  }
0x19: {  	s3 =	simm.s32 $0x1;
	s1 =	sshrl.u32 s25, $0x3;
	s25 =	simm.s32 $0x3  }
0x1a: {  	v0 =	vimm.f32 $1.000000000e+00;
	v1 =	vimm.f32 $0.0e+00;
	s21 =	sadd.s32 s7, s1;
	s1 =	simm.s32 $0x50;
	s7 =	simm.s32 $0x3E80  }
.LBB2_1:
0x1b: {  	[tilespmem:$0xB780] =	vst v0  }
0x1c: {  	[tilespmem:$0xB790] =	vst v0  }
0x1d: {  	[tilespmem:$0xB7A0] =	vst v0  }
0x1e: {  	[tilespmem:$0xB7B0] =	vst v0  }
0x1f: {  	[tilespmem:$0xB7C0] =	vst v0;
	s8 =	simm.s32 $0x0;
	s9 =	simm.s32 $0x200  }
.LBB2_2:
0x20: {  	p0 =	sne.s32 s9, $0x9E00;
	[tilespmem:s8+$0x67F0] =	vst v1  }
0x21: {  	[tilespmem:s8+$0x6780] =	vst v1  }
0x22: {  	[tilespmem:s8+$0x6790] =	vst v1  }
.Ltmp0:
0x23: {  	[tilespmem:s8+$0x67A0] =	vst v1;
	(pc) =	sbr.rel @p0 .LBB2_2-.Ltmp0, $4  }
0x24: {  	[tilespmem:s8+$0x67B0] =	vst v1  }
0x25: {  	[tilespmem:s8+$0x67C0] =	vst v1  }
0x26: {  	[tilespmem:s8+$0x67D0] =	vst v1  }
0x27: {  	[tilespmem:s8+$0x67E0] =	vst v1;
	s8 =	sshra.s32 s9, $0x2;
	s9 =	sadd.s32 $0x200, s9  }
0x28: {  	[tilespmem:s8+$0x67F0] =	vst v1  }
0x29: {  	[tilespmem:s8+$0x6780] =	vst v1  }
0x2a: {  	[tilespmem:s8+$0x6790] =	vst v1  }
0x2b: {  	[tilespmem:s8+$0x67A0] =	vst v1  }
0x2c: {  	[tilespmem:s8+$0x67B0] =	vst v1  }
0x2d: {  	[tilespmem:s8+$0x67C0] =	vst v1  }
0x2e: {  	[tilespmem:s8+$0x67D0] =	vst v1  }
0x2f: {  	[tilespmem:s8+$0x67E0] =	vst v1  }
0x30: {  	[spmem:s6] =	stream.linear.scatter [tilespmem:s24], [sflag:$0x3], $0x2800, $0x38;
	[tilespmem:$0x1FA80] =	vst v63  }
0x31: {  	_ =	swait.ge [sflag:s25], $0x2800  }
0x32: {  	[sflag:s25] =	ssyncset.done $0x0  }
0x33: {  	s9 =	rddreg [dreg:$0x8];
	[sflag:s25] =	ssyncadd.s32 $0xFFFFD800  }
0x34: {  	[spmem:s9] =	stream.linear.scatter [tilespmem:s24], [sflag:$0x3], $0x2800, $0x38;
	[tilespmem:$0x1FA80] =	vst v63  }
0x35: {  	_ =	swait.ge [sflag:s25], $0x2800  }
0x36: {  	[sflag:s25] =	ssyncset.done $0x0  }
0x37: {  	s10 =	rddreg [dreg:$0x9];
	[sflag:s25] =	ssyncadd.s32 $0xFFFFD800  }
0x38: {  	[spmem:s10] =	stream.linear.scatter [tilespmem:s24], [sflag:$0x3], $0x2800, $0x38;
	[tilespmem:$0x1FA80] =	vst v63  }
0x39: {  	_ =	swait.ge [sflag:s25], $0x2800  }
0x3a: {  	[sflag:s25] =	ssyncset.done $0x0  }
0x3b: {  	s11 =	rddreg [dreg:$0xa];
	[sflag:s25] =	ssyncadd.s32 $0xFFFFD800  }
0x3c: {  	[spmem:s11] =	stream.linear.scatter [tilespmem:s24], [sflag:$0x3], $0x2800, $0x38;
	[tilespmem:$0x1FA80] =	vst v63  }
0x3d: {  	_ =	swait.ge [sflag:s25], $0x2800  }
0x3e: {  	[sflag:s25] =	ssyncset.done $0x0  }
0x3f: {  	s9 =	rddreg [dreg:$0xb];
	[sflag:s25] =	ssyncadd.s32 $0xFFFFD800  }
0x40: {  	[spmem:s9] =	stream.linear.scatter [tilespmem:s24], [sflag:$0x3], $0x2800, $0x38;
	[tilespmem:$0x1FA80] =	vst v63  }
0x41: {  	_ =	swait.ge [sflag:s25], $0x2800  }
0x42: {  	[sflag:s25] =	ssyncset.done $0x0  }
0x43: {  	s10 =	rddreg [dreg:$0xc];
	[sflag:s25] =	ssyncadd.s32 $0xFFFFD800  }
0x44: {  	[spmem:s10] =	stream.linear.scatter [tilespmem:s24], [sflag:$0x3], $0x2800, $0x38;
	[tilespmem:$0x1FA80] =	vst v63  }
0x45: {  	_ =	swait.ge [sflag:s25], $0x2800  }
0x46: {  	[sflag:s25] =	ssyncset.done $0x0  }
0x47: {  	[sflag:s25] =	ssyncadd.s32 $0xFFFFD800  }
0x48: {  	[spmem:s12] =	stream.linear.scatter [tilespmem:s24], [sflag:$0x3], $0x2800, $0x38;
	[tilespmem:$0x1FA80] =	vst v63  }
0x49: {  	_ =	swait.ge [sflag:s25], $0x2800  }
0x4a: {  	[sflag:s25] =	ssyncset.done $0x0  }
0x4b: {  	[sflag:s25] =	ssyncadd.s32 $0xFFFFD800  }
0x4c: {  	[spmem:s14] =	stream.linear.scatter [tilespmem:s24], [sflag:$0x3], $0x2800, $0x38;
	[tilespmem:$0x1FA80] =	vst v63  }
0x4d: {  	_ =	swait.ge [sflag:s25], $0x2800  }
0x4e: {  	[sflag:s25] =	ssyncset.done $0x0  }
0x4f: {  	[sflag:s25] =	ssyncadd.s32 $0xFFFFD800  }
0x50: {  	[spmem:s13] =	stream.linear.scatter [tilespmem:s24], [sflag:$0x3], $0x80, $0x38;
	[tilespmem:$0x1FA80] =	vst v63  }
0x51: {  	_ =	swait.ge [sflag:s25], $0x80  }
0x52: {  	[sflag:s25] =	ssyncset.done $0x0  }
0x53: {  	s11 =	simm.s32 $0x6800;
	[sflag:s25] =	ssyncadd.s32 $0xFFFFFF80  }
0x54: {  	[spmem:s15] =	stream.linear.scatter [tilespmem:s11], [sflag:$0x3], $0x80, $0x38;
	[tilespmem:$0x1FA80] =	vst v63  }
0x55: {  	_ =	swait.ge [sflag:s25], $0x80  }
0x56: {  	[sflag:s25] =	ssyncset.done $0x0  }
0x57: {  	s9 =	simm.s32 $0x6880;
	[sflag:s25] =	ssyncadd.s32 $0xFFFFFF80  }
0x58: {  	[spmem:s17] =	stream.linear.scatter [tilespmem:s9], [sflag:$0x3], $0x80, $0x38;
	[tilespmem:$0x1FA80] =	vst v63  }
0x59: {  	_ =	swait.ge [sflag:s25], $0x80  }
0x5a: {  	[sflag:s25] =	ssyncset.done $0x0  }
0x5b: {  	s10 =	simm.s32 $0x6900;
	[sflag:s25] =	ssyncadd.s32 $0xFFFFFF80  }
0x5c: {  	[spmem:s18] =	stream.linear.scatter [tilespmem:s10], [sflag:$0x3], $0x80, $0x38;
	[tilespmem:$0x1FA80] =	vst v63  }
0x5d: {  	_ =	swait.ge [sflag:s25], $0x80  }
0x5e: {  	[sflag:s25] =	ssyncset.done $0x0  }
0x5f: {  	s11 =	simm.s32 $0x6980;
	[sflag:s25] =	ssyncadd.s32 $0xFFFFFF80  }
0x60: {  	[spmem:s19] =	stream.linear.scatter [tilespmem:s11], [sflag:$0x3], $0x80, $0x38;
	[tilespmem:$0x1FA80] =	vst v63  }
0x61: {  	_ =	swait.ge [sflag:s25], $0x80  }
0x62: {  	[sflag:s25] =	ssyncset.done $0x0  }
0x63: {  	s9 =	simm.s32 $0x0;
	[sflag:s25] =	ssyncadd.s32 $0xFFFFFF80  }
0x64: {  	[tilespmem:s9], [sflag:$0x3] =	stream.linear.gather [hbm4b:s20+s9], $0x3F00, $0x38;
	[tilespmem:$0x1FA80] =	vst v63  }
0x65: {  	_ =	swait.ge [sflag:s25], $0x3F00  }
0x66: {  	[sflag:s25] =	ssyncset.done $0x0  }
0x67: {  	[sflag:s25] =	ssyncadd.s32 $0xFFFFC100  }
0x68: {  	[tilespmem:s31], [sflag:$0x3] =	stream.linear.gather [hbm4b:s16+s9], $0x2760, $0x38;
	[tilespmem:$0x1FA80] =	vst v63  }
0x69: {  	_ =	swait.ge [sflag:s25], $0x2760  }
0x6a: {  	[sflag:s25] =	ssyncset.done $0x0  }
0x6b: {  	[sflag:s25] =	ssyncadd.s32 $0xFFFFD8A0  }
0x6c: {  	[bflag:$0x0] =	sbarrier.arrive $0xFFFF  }
0x6d: {  	[tilespmem:s24], [sflag:$0x1] =	stream.indirect.gather [hbm4b:s0+s1], $0x80, s31, s1, $0xb8;
	[tilespmem:$0x1FA80] =	vst v63  }
0x6e: {  	_ =	swait.ge [sflag:s3], $0x2800  }
0x6f: {  	[sflag:s3] =	ssyncset.done $0x0  }
0x70: {  	s8 =	simm.s32 $0x4050;
	[sflag:s3] =	ssyncadd.s32 $0xFFFFD800  }
0x71: {  	[tilespmem:s26], [sflag:$0x2] =	stream.indirect.gather [hbm4b:s0+s1], $0x80, s8, s1, $0xb8;
	[tilespmem:$0x1FA80] =	vst v63  }
0x72: {  	s9 =	simm.s32 $0x0  }
0x73: {  	[spmem:s2] =	stream.indirect.scatter.add.f32 [tilespmem:s24], [sflag:$0x3], $0x80, s9, s1, $0xb8;
	[tilespmem:$0x1FA80] =	vst v63  }
0x74: {  	_ =	swait.ge [sflag:s25], $0x2800  }
0x75: {  	[sflag:s25] =	ssyncset.done $0x0  }
0x76: {  	[sflag:s25] =	ssyncadd.s32 $0xFFFFD800  }
0x77: {  	[spmem:s4] =	stream.indirect.scatter.add.f32 [tilespmem:s28], [sflag:$0x3], $0x1, s9, s1, $0xb8;
	[tilespmem:$0x1FA80] =	vst v63  }
0x78: {  	_ =	swait.ge [sflag:s25], $0x50  }
0x79: {  	[sflag:s25] =	ssyncset.done $0x0  }
0x7a: {  	[sflag:s25] =	ssyncadd.s32 $0xFFFFFFB0  }
0x7b: {  	_ =	swait.ge [sflag:s29], $0x2800  }
0x7c: {  	[sflag:s29] =	ssyncset.done $0x0  }
0x7d: {  	s10 =	simm.s32 $0x40A0;
	[sflag:s29] =	ssyncadd.s32 $0xFFFFD800  }
0x7e: {  	[tilespmem:s24], [sflag:$0x1] =	stream.indirect.gather [hbm4b:s0+s1], $0x80, s10, s1, $0xb8;
	[tilespmem:$0x1FA80] =	vst v63  }
0x7f: {  	s11 =	simm.s32 $0x80  }
0x80: {  	[spmem:s2] =	stream.indirect.scatter.add.f32 [tilespmem:s26], [sflag:$0x3], $0x80, s11, s1, $0xb8;
	[tilespmem:$0x1FA80] =	vst v63  }
0x81: {  	_ =	swait.ge [sflag:s25], $0x2800  }
0x82: {  	[sflag:s25] =	ssyncset.done $0x0  }
0x83: {  	[sflag:s25] =	ssyncadd.s32 $0xFFFFD800  }
0x84: {  	[spmem:s4] =	stream.indirect.scatter.add.f32 [tilespmem:s28], [sflag:$0x3], $0x1, s11, s1, $0xb8;
	[tilespmem:$0x1FA80] =	vst v63  }
0x85: {  	_ =	swait.ge [sflag:s25], $0x50  }
0x86: {  	s9 =	simm.s32 $0x400;
	[sflag:s25] =	ssyncset.done $0x0  }
.LBB2_4:
0x87: {  	p0 =	sne.s32 s9, $0xF400;
	[sflag:s25] =	ssyncadd.s32 $0xFFFFFFB0;
	s8 =	sadd.s32 $0xA0, s8  }
0x88: {  	s10 =	smov.u32 s9;
	s9 =	sadd.s32 $0x400, s9;
	_ =	swait.ge [sflag:s3], $0x2800  }
0x89: {  	[sflag:s3] =	ssyncset.done $0x0  }
0x8a: {  	[sflag:s3] =	ssyncadd.s32 $0xFFFFD800  }
0x8b: {  	[tilespmem:s26], [sflag:$0x2] =	stream.indirect.gather [hbm4b:s0+s1], $0x80, s8, s1, $0xb8;
	[tilespmem:$0x1FA80] =	vst v63  }
0x8c: {  	s10 =	sshra.s32 s10, $0x2  }
0x8d: {  	[spmem:s2] =	stream.indirect.scatter.add.f32 [tilespmem:s24], [sflag:$0x3], $0x80, s10, s1, $0xb8;
	[tilespmem:$0x1FA80] =	vst v63  }
0x8e: {  	_ =	swait.ge [sflag:s25], $0x2800  }
0x8f: {  	[sflag:s25] =	ssyncset.done $0x0  }
0x90: {  	[sflag:s25] =	ssyncadd.s32 $0xFFFFD800  }
0x91: {  	[spmem:s4] =	stream.indirect.scatter.add.f32 [tilespmem:s28], [sflag:$0x3], $0x1, s10, s1, $0xb8;
	[tilespmem:$0x1FA80] =	vst v63  }
0x92: {  	_ =	swait.ge [sflag:s25], $0x50  }
0x93: {  	[sflag:s25] =	ssyncset.done $0x0  }
0x94: {  	[sflag:s25] =	ssyncadd.s32 $0xFFFFFFB0  }
0x95: {  	_ =	swait.ge [sflag:s29], $0x2800  }
0x96: {  	[sflag:s29] =	ssyncset.done $0x0  }
0x97: {  	s11 =	sadd.s32 $0x50, s8;
	[sflag:s29] =	ssyncadd.s32 $0xFFFFD800  }
0x98: {  	[tilespmem:s24], [sflag:$0x1] =	stream.indirect.gather [hbm4b:s0+s1], $0x80, s11, s1, $0xb8;
	[tilespmem:$0x1FA80] =	vst v63  }
0x99: {  	s10 =	sadd.s32 $0x80, s10  }
0x9a: {  	[spmem:s2] =	stream.indirect.scatter.add.f32 [tilespmem:s26], [sflag:$0x3], $0x80, s10, s1, $0xb8;
	[tilespmem:$0x1FA80] =	vst v63  }
0x9b: {  	_ =	swait.ge [sflag:s25], $0x2800  }
.Ltmp1:
0x9c: {  	[sflag:s25] =	ssyncset.done $0x0;
	(pc) =	sbr.rel @p0 .LBB2_4-.Ltmp1, $4  }
0x9d: {  	[sflag:s25] =	ssyncadd.s32 $0xFFFFD800  }
0x9e: {  	[spmem:s4] =	stream.indirect.scatter.add.f32 [tilespmem:s28], [sflag:$0x3], $0x1, s10, s1, $0xb8;
	[tilespmem:$0x1FA80] =	vst v63  }
0x9f: {  	_ =	swait.ge [sflag:s25], $0x50  }
0xa0: {  	[sflag:s25] =	ssyncset.done $0x0  }
0xa1: {  	[sflag:s25] =	ssyncadd.s32 $0xFFFFFFB0  }
0xa2: {  	_ =	swait.ge [sflag:s3], $0x2800  }
0xa3: {  	[sflag:s3] =	ssyncset.done $0x0  }
0xa4: {  	s8 =	simm.s32 $0x6710;
	[sflag:s3] =	ssyncadd.s32 $0xFFFFD800  }
0xa5: {  	[tilespmem:s26], [sflag:$0x2] =	stream.indirect.gather [hbm4b:s0+s1], $0x80, s8, s1, $0xb8;
	[tilespmem:$0x1FA80] =	vst v63  }
0xa6: {  	_ = 	snop  }
0xa7: {  	[spmem:s2] =	stream.indirect.scatter.add.f32 [tilespmem:s24], [sflag:$0x3], $0x80, s30, s1, $0xb8;
	[tilespmem:$0x1FA80] =	vst v63  }
0xa8: {  	_ =	swait.ge [sflag:s25], $0x2800  }
0xa9: {  	[sflag:s25] =	ssyncset.done $0x0  }
0xaa: {  	[sflag:s25] =	ssyncadd.s32 $0xFFFFD800  }
0xab: {  	[spmem:s4] =	stream.indirect.scatter.add.f32 [tilespmem:s28], [sflag:$0x3], $0x1, s30, s1, $0xb8;
	[tilespmem:$0x1FA80] =	vst v63  }
0xac: {  	_ =	swait.ge [sflag:s25], $0x50  }
0xad: {  	[sflag:s25] =	ssyncset.done $0x0  }
0xae: {  	[sflag:s25] =	ssyncadd.s32 $0xFFFFFFB0  }
0xaf: {  	_ =	swait.ge [sflag:s29], $0x2800  }
0xb0: {  	[sflag:s29] =	ssyncset.done $0x0  }
0xb1: {  	[sflag:s29] =	ssyncadd.s32 $0xFFFFD800  }
0xb2: {  	[spmem:s2] =	stream.indirect.scatter.add.f32 [tilespmem:s26], [sflag:$0x3], $0x80, s7, s1, $0xb8;
	[tilespmem:$0x1FA80] =	vst v63  }
0xb3: {  	_ =	swait.ge [sflag:s25], $0x2800  }
0xb4: {  	[sflag:s25] =	ssyncset.done $0x0  }
0xb5: {  	[sflag:s25] =	ssyncadd.s32 $0xFFFFD800  }
0xb6: {  	[spmem:s4] =	stream.indirect.scatter.add.f32 [tilespmem:s28], [sflag:$0x3], $0x1, s7, s1, $0xb8;
	[tilespmem:$0x1FA80] =	vst v63  }
0xb7: {  	_ =	swait.ge [sflag:s25], $0x50  }
0xb8: {  	s10 =	stileid.u32;
	[sflag:s25] =	ssyncset.done $0x0  }
0xb9: {  	s8 =	sshll.u32 s10, $0x6;
	[sflag:s25] =	ssyncadd.s32 $0xFFFFFFB0  }
0xba: {  	s9 =	sshrl.u32 s6, $0x3;
	s8 =	sor.u32 $0x1C03, s8;
	[bflag:$0x0] =	sbarrier.arrive $0xFFFF  }
0xbb: {  	[hbm:s21], [sflag:s8] =	dma.local [spmem:s9], $0x2800  }
0xbc: {  	s5 =	sadd.s32 $0x1, s5;
	_ =	swait.ge [sflag:s25], $0x2800  }
0xbd: {  	p0 =	sne.s32 s5, s23;
	[sflag:s25] =	ssyncset.done $0x0  }
.Ltmp2:
0xbe: {  	s11 =	sshrl.u32 s13, $0x3;
	[sflag:s25] =	ssyncadd.s32 $0xFFFFD800;
	(pc) =	sbr.rel @p0 .LBB2_1-.Ltmp2, $4  }
0xbf: {  	[hbm:s22], [sflag:s8] =	dma.local [spmem:s11], $0x50  }
0xc0: {  	_ =	swait.ge [sflag:s25], $0x50  }
0xc1: {  	[sflag:s25] =	ssyncset.done $0x0  }
0xc2: {  	[sflag:s25] =	ssyncadd.s32 $0xFFFFFFB0  }
0xc3: {  	_ =	sfence.sel $0x180000  }
0xc4: {  	[bflag:$0x0] =	sbarrier.arrive $0xFFFF  }
0xc5: {  	_ =	strace $0x90000047  }
0xc6: {  	s0 =	stileid.u32;
	[bflag:$0x2] =	sbarrier.arrive $0xFFFF  }
0xc7: {  	p0 =	sne.s32 s0, $0x0;
	s0 =	rddreg [dreg:$0x7]  }
0xc8: {  	s0 =	sadd.s32 @!p0 $0x100000, s0  }
0xc9: {  	[sflag:s0] =	ssyncadd.tile.s32 @!p0 $0x1;
	_ =	shalt  }
.Lfunc_end2:
_tile_overlayer_lowered:
.L_overlay_start_2:
0xca: {  	(tag) =	ssettag $0x2  }
0xcb: {  	s0 =	rddreg [dreg:$0x0];
	s2 =	stileid.u32  }
0xcc: {  	s1 =	rddreg [dreg:$0x1];
	p0 =	sne.s32 s2, $0x0  }
0xcd: {  	s3 =	rddreg [dreg:$0x2];
	[bflag:$0x3] =	sbarrier.arrive $0xFFFF;
	s2 =	simm.s32 @!p0 $0x1C03  }
0xce: {  	[timem:s3], [sflag:s2] =	dma.local @!p0 [hbm:s0], s1  }
0xcf: {  	s0 =	simm.s32 @!p0 $0x3  }
0xd0: {  	_ =	swait.ge @!p0 [sflag:s0], s1  }
0xd1: {  	s1 =	ssub.s32 @!p0 $0x0, s1;
	[sflag:s0] =	ssyncset.done @!p0 $0x0  }
0xd2: {  	[sflag:s0] =	ssyncadd.s32 @!p0 s1  }
0xd3: {  	[bflag:$0x3] =	sbarrier.arrive $0xFFFF  }
0xd4: {  	_ =	shalt  }

</sc_bundles>
